<compile_context>
chip_gen: v7x
topology: tpu7x:2x2x1
jax: 0.10.2.dev20260603
libtpu: 0.0.44.dev20260713+nightly
codegen_flags: <defaults>
</compile_context>

<pallas_src>
import functools

import jax
import jax.numpy as jnp
from jax import lax
from jax.experimental import pallas as pl
from jax.experimental.pallas import tpu as pltpu
from jax.experimental.pallas import tpu_sc as plsc


def _tc_copy(x_ref, o_ref):
    o_ref[0] = x_ref[0]


def _sc_copy(B_SC, B_OFF, B, T, D):
    NW = 32
    TILE = 32
    ROWS_PER_W = (B_SC * T) // NW
    NTILES = ROWS_PER_W // TILE
    QPB = NW // B_SC
    mesh = plsc.VectorSubcoreMesh(core_axis_name="c", subcore_axis_name="s")

    @functools.partial(
        pl.kernel,
        mesh=mesh,
        out_type=jax.ShapeDtypeStruct((B, T, D), jnp.float32),
        scratch_types=[
            pltpu.VMEM((2, TILE, D), jnp.float32),
            pltpu.SemaphoreType.DMA,
            pltpu.SemaphoreType.DMA,
        ],
    )
    def k(x_hbm, out_hbm, bufs, sem0, sem1):
        wid = lax.axis_index("c") * 16 + lax.axis_index("s")
        b = B_OFF + wid // QPB
        q = wid % QPB
        row0 = q * (T // QPB)
        sems = [sem0, sem1]
        copies = [None, None]
        for i in range(NTILES):
            j = i % 2
            if copies[j] is not None:
                copies[j].wait()
            start = row0 + i * TILE
            pltpu.sync_copy(x_hbm.at[b, pl.ds(start, TILE), :], bufs.at[j])
            copies[j] = pltpu.async_copy(
                bufs.at[j], out_hbm.at[b, pl.ds(start, TILE), :], sems[j]
            )
        for j in range(2):
            if copies[j] is not None:
                copies[j].wait()

    return k


def kernel(sequence, lengths):
    B, T, D = sequence.shape
    B_TC = 4
    B_SC = 4
    tc_out = pl.pallas_call(
        _tc_copy,
        grid=(B_TC,),
        in_specs=[pl.BlockSpec((1, T, D), lambda b: (b, 0, 0))],
        out_specs=pl.BlockSpec((1, T, D), lambda b: (b, 0, 0)),
        out_shape=jax.ShapeDtypeStruct((B_TC, T, D), jnp.float32),
        compiler_params=pltpu.CompilerParams(
            dimension_semantics=("parallel",),
        ),
    )(sequence)
    sc_out = _sc_copy(B_SC, B_TC, B, T, D)(sequence)
    return tc_out, sc_out

# --- scband reference (transcript-rebuilt; emitter-appended) ---
"""Pipeline reference for scband-sequence-standardizer-69398081569150 (READ-ONLY COPY).

The authoritative reference and input builder live on the scoring server;
editing this copy changes nothing except your own understanding.
"""

import jax, jax.numpy as jnp
import numpy as np


def setup_inputs(seed: int = 0) -> dict:
    key = jax.random.key(seed)
    k1, k2 = jax.random.split(key)
    B, T, D = 8, 2048, 1024
    sequence = jax.random.normal(k1, (B, T, D), dtype=jnp.float32)
    # lengths must be >= 2 (the module divides by length - 1); keep them in a
    # realistic ragged range [T//4, T]
    lengths = jax.random.randint(k2, (B,), T // 4, T + 1).astype(jnp.int64)
    return {"sequence": sequence, "lengths": lengths}


def reference(sequence, lengths):
    # Faithful translation of SequenceStandardizer.forward.
    # The torch module computes mean / sample_std from `.data` (detached) and
    # wraps them in fresh Variables, so they carry NO gradient. We replicate
    # that with stop_gradient. Per-batch loop over valid lengths is replaced
    # by a validity mask (identical math).
    B, T, D = sequence.shape
    mask = (jnp.arange(T)[None, :] < lengths[:, None]).astype(sequence.dtype)  # [B, T]
    mask3 = mask[:, :, None]  # [B, T, 1]
    L = lengths.astype(sequence.dtype)[:, None, None]  # [B, 1, 1]

    # mean[b, 0, :] = sum_{t < length_b} sequence[b, t, :] / length_b
    mean = jnp.sum(sequence * mask3, axis=1, keepdims=True) / L  # [B, 1, D]

    # sample_std[b, 0, :] = sqrt( sum_{t < length_b} (seq[b,t,:] - mean[b])^2 / (length_b - 1) )
    sq = ((sequence - mean) ** 2) * mask3
    sample_std = jnp.sqrt(jnp.sum(sq, axis=1, keepdims=True) / (L - 1.0))  # [B, 1, D]

    mean = jax.lax.stop_gradient(mean)
    sample_std = jax.lax.stop_gradient(sample_std)

    return (sequence - mean) / sample_std

if __name__ == "__main__":
    import jax
    _d = setup_inputs()
    print(jax.jit(kernel)(*tuple(_d.values())))

</pallas_src>

<mosaic_0001>
#map = affine_map<(d0, d1) -> (0, 0, 0)>
module attributes {stable_mosaic.version = 14 : i64} {
  func.func @k(%arg0: i32, %arg1: i32, %arg2: memref<8x2048x1024xf32, #tpu.memory_space<hbm>>, %arg3: memref<8x2048x1024xf32, #tpu.memory_space<hbm>>, %arg4: memref<2x32x1024xf32, #tpu.memory_space<vmem>>, %arg5: memref<!tpu.dma_semaphore, #tpu.memory_space<semaphore_mem>>, %arg6: memref<!tpu.dma_semaphore, #tpu.memory_space<semaphore_mem>>) attributes {dimension_semantics = [#tpu.dimension_semantics<core_parallel>, #tpu.dimension_semantics<subcore_parallel>], iteration_bounds = array<i64: 2, 16>, scalar_prefetch = 0 : i64, scratch_operands = 3 : i64, tpu.core_type = #tpu.core_type<sc_vector_subcore>, window_params = [{transform_indices = #map}, {transform_indices = #map}]} {
    %mul3A = arith.constant 16 : i32
    %mul3A_0 = arith.muli %arg0, %mul3A : i32
    %add3A = arith.addi %mul3A_0, %arg1 : i32
    %jit3A = arith.constant 8 : i32
    %div3A = arith.divsi %add3A, %jit3A : i32
    %sign3A = arith.constant 0 : i32
    %sign3A_1 = arith.cmpi sgt, %add3A, %sign3A : i32
    %sign3A_2 = arith.extui %sign3A_1 : i1 to i32
    %sign3A_3 = arith.constant 0 : i32
    %sign3A_4 = arith.cmpi slt, %add3A, %sign3A_3 : i32
    %sign3A_5 = arith.extui %sign3A_4 : i1 to i32
    %sign3A_6 = arith.subi %sign3A_2, %sign3A_5 : i32
    %sign3A_7 = arith.constant 0 : i32
    %sign3A_8 = arith.cmpi sgt, %jit3A, %sign3A_7 : i32
    %sign3A_9 = arith.extui %sign3A_8 : i1 to i32
    %sign3A_10 = arith.constant 0 : i32
    %sign3A_11 = arith.cmpi slt, %jit3A, %sign3A_10 : i32
    %sign3A_12 = arith.extui %sign3A_11 : i1 to i32
    %sign3A_13 = arith.subi %sign3A_9, %sign3A_12 : i32
    %ne3A = arith.cmpi ne, %sign3A_6, %sign3A_13 : i32
    %rem3A = arith.remsi %add3A, %jit3A : i32
    %ne3A_14 = arith.constant 0 : i32
    %ne3A_15 = arith.cmpi ne, %rem3A, %ne3A_14 : i32
    %and3A = arith.andi %ne3A, %ne3A_15 : i1
    %sub3A = arith.constant 1 : i32
    %sub3A_16 = arith.subi %div3A, %sub3A : i32
    %select_n3A = arith.select %and3A, %sub3A_16, %div3A : i32
    %add3A_17 = arith.constant 4 : i32
    %add3A_18 = arith.addi %add3A_17, %select_n3A : i32
    %jit3A_19 = arith.constant 8 : i32
    %eq3A = arith.constant 0 : i32
    %eq3A_20 = arith.cmpi eq, %jit3A_19, %eq3A : i32
    %jit3A_21 = arith.constant 1 : i32
    %select_n3A_22 = arith.select %eq3A_20, %jit3A_21, %jit3A_19 : i32
    %rem3A_23 = arith.remsi %add3A, %select_n3A_22 : i32
    %ne3A_24 = arith.constant 0 : i32
    %ne3A_25 = arith.cmpi ne, %rem3A_23, %ne3A_24 : i32
    %lt3A = arith.constant 0 : i32
    %lt3A_26 = arith.cmpi slt, %rem3A_23, %lt3A : i32
    %lt3A_27 = arith.constant 0 : i32
    %lt3A_28 = arith.cmpi slt, %select_n3A_22, %lt3A_27 : i32
    %ne3A_29 = arith.xori %lt3A_26, %lt3A_28 : i1
    %and3A_30 = arith.andi %ne3A_29, %ne3A_25 : i1
    %add3A_31 = arith.addi %rem3A_23, %select_n3A_22 : i32
    %select_n3A_32 = arith.select %and3A_30, %add3A_31, %rem3A_23 : i32
    %mul3A_33 = arith.constant 256 : i32
    %mul3A_34 = arith.muli %select_n3A_32, %mul3A_33 : i32
    %add3A_35 = arith.constant 0 : i32
    %add3A_36 = arith.addi %mul3A_34, %add3A_35 : i32
    %run_scoped3A = arith.constant 0 : i32
    "tpu.region"() ({
      %run_scoped3A_296 = tpu.sem_alloc : memref<!tpu.dma_semaphore, #tpu.memory_space<semaphore_mem>>
      %dma_start3A_297 = arith.constant 0 : i32
      %dma_start3A_298 = arith.constant 0 : i32
      %dma_start3A_299 = tpu.memref_slice %arg4[%run_scoped3A, %dma_start3A_297, %dma_start3A_298] : memref<2x32x1024xf32, #tpu.memory_space<vmem>> -> memref<1x32x1024xf32, #tpu.memory_space<vmem>>
      %dma_start3A_300 = tpu.memref_squeeze %dma_start3A_299 : memref<1x32x1024xf32, #tpu.memory_space<vmem>> -> memref<32x1024xf32, #tpu.memory_space<vmem>>
      %dma_start3A_301 = arith.constant 0 : i32
      %dma_start3A_302 = tpu.memref_slice %arg2[%add3A_18, %add3A_36, %dma_start3A_301] : memref<8x2048x1024xf32, #tpu.memory_space<hbm>> -> memref<1x32x1024xf32, #tpu.memory_space<hbm>>
      %dma_start3A_303 = tpu.memref_squeeze %dma_start3A_302 : memref<1x32x1024xf32, #tpu.memory_space<hbm>> -> memref<32x1024xf32, #tpu.memory_space<hbm>>
      %dma_start3A_304 = arith.constant 0 : i32
      %dma_start3A_305 = arith.constant 0 : i32
      %dma_start3A_306 = tpu.memref_slice %arg4[%run_scoped3A, %dma_start3A_304, %dma_start3A_305] : memref<2x32x1024xf32, #tpu.memory_space<vmem>> -> memref<1x32x1024xf32, #tpu.memory_space<vmem>>
      %dma_start3A_307 = tpu.memref_squeeze %dma_start3A_306 : memref<1x32x1024xf32, #tpu.memory_space<vmem>> -> memref<32x1024xf32, #tpu.memory_space<vmem>>
      %dma_start3A_308 = arith.constant 0 : i32
      %dma_start3A_309 = tpu.memref_slice %arg2[%add3A_18, %add3A_36, %dma_start3A_308] : memref<8x2048x1024xf32, #tpu.memory_space<hbm>> -> memref<1x32x1024xf32, #tpu.memory_space<hbm>>
      %dma_start3A_310 = tpu.memref_squeeze %dma_start3A_309 : memref<1x32x1024xf32, #tpu.memory_space<hbm>> -> memref<32x1024xf32, #tpu.memory_space<hbm>>
      tpu.enqueue_dma source(%dma_start3A_310 : memref<32x1024xf32, #tpu.memory_space<hbm>>) target(%dma_start3A_307 : memref<32x1024xf32, #tpu.memory_space<vmem>>) target_semaphore(%run_scoped3A_296 : memref<!tpu.dma_semaphore, #tpu.memory_space<semaphore_mem>>)
      %dma_wait3A_311 = arith.constant 0 : i32
      %dma_wait3A_312 = arith.constant 0 : i32
      %dma_wait3A_313 = tpu.memref_slice %arg4[%run_scoped3A, %dma_wait3A_311, %dma_wait3A_312] : memref<2x32x1024xf32, #tpu.memory_space<vmem>> -> memref<1x32x1024xf32, #tpu.memory_space<vmem>>
      %dma_wait3A_314 = tpu.memref_squeeze %dma_wait3A_313 : memref<1x32x1024xf32, #tpu.memory_space<vmem>> -> memref<32x1024xf32, #tpu.memory_space<vmem>>
      %dma_wait3A_315 = arith.constant 0 : i32
      %dma_wait3A_316 = tpu.memref_slice %arg2[%add3A_18, %add3A_36, %dma_wait3A_315] : memref<8x2048x1024xf32, #tpu.memory_space<hbm>> -> memref<1x32x1024xf32, #tpu.memory_space<hbm>>
      %dma_wait3A_317 = tpu.memref_squeeze %dma_wait3A_316 : memref<1x32x1024xf32, #tpu.memory_space<hbm>> -> memref<32x1024xf32, #tpu.memory_space<hbm>>
      %dma_wait3A_318 = arith.constant 0 : i32
      %dma_wait3A_319 = arith.constant 0 : i32
      %dma_wait3A_320 = tpu.memref_slice %arg4[%run_scoped3A, %dma_wait3A_318, %dma_wait3A_319] : memref<2x32x1024xf32, #tpu.memory_space<vmem>> -> memref<1x32x1024xf32, #tpu.memory_space<vmem>>
      %dma_wait3A_321 = tpu.memref_squeeze %dma_wait3A_320 : memref<1x32x1024xf32, #tpu.memory_space<vmem>> -> memref<32x1024xf32, #tpu.memory_space<vmem>>
      %dma_wait3A_322 = arith.constant 0 : i32
      %dma_wait3A_323 = tpu.memref_slice %arg2[%add3A_18, %add3A_36, %dma_wait3A_322] : memref<8x2048x1024xf32, #tpu.memory_space<hbm>> -> memref<1x32x1024xf32, #tpu.memory_space<hbm>>
      %dma_wait3A_324 = tpu.memref_squeeze %dma_wait3A_323 : memref<1x32x1024xf32, #tpu.memory_space<hbm>> -> memref<32x1024xf32, #tpu.memory_space<hbm>>
      tpu.wait_dma2 semaphore(%run_scoped3A_296 : memref<!tpu.dma_semaphore, #tpu.memory_space<semaphore_mem>>) src(%dma_wait3A_324 : memref<32x1024xf32, #tpu.memory_space<hbm>>) dst(%dma_wait3A_321 : memref<32x1024xf32, #tpu.memory_space<vmem>>)
      tpu.yield
    }) : () -> ()
    %dma_start3A = arith.constant 0 : i32
    %dma_start3A_37 = arith.constant 0 : i32
    %dma_start3A_38 = arith.constant 0 : i32
    %dma_start3A_39 = tpu.memref_slice %arg4[%dma_start3A, %dma_start3A_37, %dma_start3A_38] : memref<2x32x1024xf32, #tpu.memory_space<vmem>> -> memref<1x32x1024xf32, #tpu.memory_space<vmem>>
    %dma_start3A_40 = tpu.memref_squeeze %dma_start3A_39 : memref<1x32x1024xf32, #tpu.memory_space<vmem>> -> memref<32x1024xf32, #tpu.memory_space<vmem>>
    %dma_start3A_41 = arith.constant 0 : i32
    %dma_start3A_42 = tpu.memref_slice %arg3[%add3A_18, %add3A_36, %dma_start3A_41] : memref<8x2048x1024xf32, #tpu.memory_space<hbm>> -> memref<1x32x1024xf32, #tpu.memory_space<hbm>>
    %dma_start3A_43 = tpu.memref_squeeze %dma_start3A_42 : memref<1x32x1024xf32, #tpu.memory_space<hbm>> -> memref<32x1024xf32, #tpu.memory_space<hbm>>
    %dma_start3A_44 = arith.constant 0 : i32
    %dma_start3A_45 = tpu.memref_slice %arg3[%add3A_18, %add3A_36, %dma_start3A_44] : memref<8x2048x1024xf32, #tpu.memory_space<hbm>> -> memref<1x32x1024xf32, #tpu.memory_space<hbm>>
    %dma_start3A_46 = tpu.memref_squeeze %dma_start3A_45 : memref<1x32x1024xf32, #tpu.memory_space<hbm>> -> memref<32x1024xf32, #tpu.memory_space<hbm>>
    %dma_start3A_47 = arith.constant 0 : i32
    %dma_start3A_48 = arith.constant 0 : i32
    %dma_start3A_49 = tpu.memref_slice %arg4[%dma_start3A, %dma_start3A_47, %dma_start3A_48] : memref<2x32x1024xf32, #tpu.memory_space<vmem>> -> memref<1x32x1024xf32, #tpu.memory_space<vmem>>
    %dma_start3A_50 = tpu.memref_squeeze %dma_start3A_49 : memref<1x32x1024xf32, #tpu.memory_space<vmem>> -> memref<32x1024xf32, #tpu.memory_space<vmem>>
    tpu.enqueue_dma source(%dma_start3A_50 : memref<32x1024xf32, #tpu.memory_space<vmem>>) target(%dma_start3A_46 : memref<32x1024xf32, #tpu.memory_space<hbm>>) target_semaphore(%arg5 : memref<!tpu.dma_semaphore, #tpu.memory_space<semaphore_mem>>)
    %add3A_51 = arith.constant 32 : i32
    %add3A_52 = arith.addi %mul3A_34, %add3A_51 : i32
    %run_scoped3A_53 = arith.constant 1 : i32
    "tpu.region"() ({
      %run_scoped3A_296 = tpu.sem_alloc : memref<!tpu.dma_semaphore, #tpu.memory_space<semaphore_mem>>
      %dma_start3A_297 = arith.constant 0 : i32
      %dma_start3A_298 = arith.constant 0 : i32
      %dma_start3A_299 = tpu.memref_slice %arg4[%run_scoped3A_53, %dma_start3A_297, %dma_start3A_298] : memref<2x32x1024xf32, #tpu.memory_space<vmem>> -> memref<1x32x1024xf32, #tpu.memory_space<vmem>>
      %dma_start3A_300 = tpu.memref_squeeze %dma_start3A_299 : memref<1x32x1024xf32, #tpu.memory_space<vmem>> -> memref<32x1024xf32, #tpu.memory_space<vmem>>
      %dma_start3A_301 = arith.constant 0 : i32
      %dma_start3A_302 = tpu.memref_slice %arg2[%add3A_18, %add3A_52, %dma_start3A_301] : memref<8x2048x1024xf32, #tpu.memory_space<hbm>> -> memref<1x32x1024xf32, #tpu.memory_space<hbm>>
      %dma_start3A_303 = tpu.memref_squeeze %dma_start3A_302 : memref<1x32x1024xf32, #tpu.memory_space<hbm>> -> memref<32x1024xf32, #tpu.memory_space<hbm>>
      %dma_start3A_304 = arith.constant 0 : i32
      %dma_start3A_305 = arith.constant 0 : i32
      %dma_start3A_306 = tpu.memref_slice %arg4[%run_scoped3A_53, %dma_start3A_304, %dma_start3A_305] : memref<2x32x1024xf32, #tpu.memory_space<vmem>> -> memref<1x32x1024xf32, #tpu.memory_space<vmem>>
      %dma_start3A_307 = tpu.memref_squeeze %dma_start3A_306 : memref<1x32x1024xf32, #tpu.memory_space<vmem>> -> memref<32x1024xf32, #tpu.memory_space<vmem>>
      %dma_start3A_308 = arith.constant 0 : i32
      %dma_start3A_309 = tpu.memref_slice %arg2[%add3A_18, %add3A_52, %dma_start3A_308] : memref<8x2048x1024xf32, #tpu.memory_space<hbm>> -> memref<1x32x1024xf32, #tpu.memory_space<hbm>>
      %dma_start3A_310 = tpu.memref_squeeze %dma_start3A_309 : memref<1x32x1024xf32, #tpu.memory_space<hbm>> -> memref<32x1024xf32, #tpu.memory_space<hbm>>
      tpu.enqueue_dma source(%dma_start3A_310 : memref<32x1024xf32, #tpu.memory_space<hbm>>) target(%dma_start3A_307 : memref<32x1024xf32, #tpu.memory_space<vmem>>) target_semaphore(%run_scoped3A_296 : memref<!tpu.dma_semaphore, #tpu.memory_space<semaphore_mem>>)
      %dma_wait3A_311 = arith.constant 0 : i32
      %dma_wait3A_312 = arith.constant 0 : i32
      %dma_wait3A_313 = tpu.memref_slice %arg4[%run_scoped3A_53, %dma_wait3A_311, %dma_wait3A_312] : memref<2x32x1024xf32, #tpu.memory_space<vmem>> -> memref<1x32x1024xf32, #tpu.memory_space<vmem>>
      %dma_wait3A_314 = tpu.memref_squeeze %dma_wait3A_313 : memref<1x32x1024xf32, #tpu.memory_space<vmem>> -> memref<32x1024xf32, #tpu.memory_space<vmem>>
      %dma_wait3A_315 = arith.constant 0 : i32
      %dma_wait3A_316 = tpu.memref_slice %arg2[%add3A_18, %add3A_52, %dma_wait3A_315] : memref<8x2048x1024xf32, #tpu.memory_space<hbm>> -> memref<1x32x1024xf32, #tpu.memory_space<hbm>>
      %dma_wait3A_317 = tpu.memref_squeeze %dma_wait3A_316 : memref<1x32x1024xf32, #tpu.memory_space<hbm>> -> memref<32x1024xf32, #tpu.memory_space<hbm>>
      %dma_wait3A_318 = arith.constant 0 : i32
      %dma_wait3A_319 = arith.constant 0 : i32
      %dma_wait3A_320 = tpu.memref_slice %arg4[%run_scoped3A_53, %dma_wait3A_318, %dma_wait3A_319] : memref<2x32x1024xf32, #tpu.memory_space<vmem>> -> memref<1x32x1024xf32, #tpu.memory_space<vmem>>
      %dma_wait3A_321 = tpu.memref_squeeze %dma_wait3A_320 : memref<1x32x1024xf32, #tpu.memory_space<vmem>> -> memref<32x1024xf32, #tpu.memory_space<vmem>>
      %dma_wait3A_322 = arith.constant 0 : i32
      %dma_wait3A_323 = tpu.memref_slice %arg2[%add3A_18, %add3A_52, %dma_wait3A_322] : memref<8x2048x1024xf32, #tpu.memory_space<hbm>> -> memref<1x32x1024xf32, #tpu.memory_space<hbm>>
      %dma_wait3A_324 = tpu.memref_squeeze %dma_wait3A_323 : memref<1x32x1024xf32, #tpu.memory_space<hbm>> -> memref<32x1024xf32, #tpu.memory_space<hbm>>
      tpu.wait_dma2 semaphore(%run_scoped3A_296 : memref<!tpu.dma_semaphore, #tpu.memory_space<semaphore_mem>>) src(%dma_wait3A_324 : memref<32x1024xf32, #tpu.memory_space<hbm>>) dst(%dma_wait3A_321 : memref<32x1024xf32, #tpu.memory_space<vmem>>)
      tpu.yield
    }) : () -> ()
    %dma_start3A_54 = arith.constant 1 : i32
    %dma_start3A_55 = arith.constant 0 : i32
    %dma_start3A_56 = arith.constant 0 : i32
    %dma_start3A_57 = tpu.memref_slice %arg4[%dma_start3A_54, %dma_start3A_55, %dma_start3A_56] : memref<2x32x1024xf32, #tpu.memory_space<vmem>> -> memref<1x32x1024xf32, #tpu.memory_space<vmem>>
    %dma_start3A_58 = tpu.memref_squeeze %dma_start3A_57 : memref<1x32x1024xf32, #tpu.memory_space<vmem>> -> memref<32x1024xf32, #tpu.memory_space<vmem>>
    %dma_start3A_59 = arith.constant 0 : i32
    %dma_start3A_60 = tpu.memref_slice %arg3[%add3A_18, %add3A_52, %dma_start3A_59] : memref<8x2048x1024xf32, #tpu.memory_space<hbm>> -> memref<1x32x1024xf32, #tpu.memory_space<hbm>>
    %dma_start3A_61 = tpu.memref_squeeze %dma_start3A_60 : memref<1x32x1024xf32, #tpu.memory_space<hbm>> -> memref<32x1024xf32, #tpu.memory_space<hbm>>
    %dma_start3A_62 = arith.constant 0 : i32
    %dma_start3A_63 = tpu.memref_slice %arg3[%add3A_18, %add3A_52, %dma_start3A_62] : memref<8x2048x1024xf32, #tpu.memory_space<hbm>> -> memref<1x32x1024xf32, #tpu.memory_space<hbm>>
    %dma_start3A_64 = tpu.memref_squeeze %dma_start3A_63 : memref<1x32x1024xf32, #tpu.memory_space<hbm>> -> memref<32x1024xf32, #tpu.memory_space<hbm>>
    %dma_start3A_65 = arith.constant 0 : i32
    %dma_start3A_66 = arith.constant 0 : i32
    %dma_start3A_67 = tpu.memref_slice %arg4[%dma_start3A_54, %dma_start3A_65, %dma_start3A_66] : memref<2x32x1024xf32, #tpu.memory_space<vmem>> -> memref<1x32x1024xf32, #tpu.memory_space<vmem>>
    %dma_start3A_68 = tpu.memref_squeeze %dma_start3A_67 : memref<1x32x1024xf32, #tpu.memory_space<vmem>> -> memref<32x1024xf32, #tpu.memory_space<vmem>>
    tpu.enqueue_dma source(%dma_start3A_68 : memref<32x1024xf32, #tpu.memory_space<vmem>>) target(%dma_start3A_64 : memref<32x1024xf32, #tpu.memory_space<hbm>>) target_semaphore(%arg6 : memref<!tpu.dma_semaphore, #tpu.memory_space<semaphore_mem>>)
    %dma_wait3A = arith.constant 0 : i32
    %dma_wait3A_69 = arith.constant 0 : i32
    %dma_wait3A_70 = arith.constant 0 : i32
    %dma_wait3A_71 = tpu.memref_slice %arg4[%dma_wait3A, %dma_wait3A_69, %dma_wait3A_70] : memref<2x32x1024xf32, #tpu.memory_space<vmem>> -> memref<1x32x1024xf32, #tpu.memory_space<vmem>>
    %dma_wait3A_72 = tpu.memref_squeeze %dma_wait3A_71 : memref<1x32x1024xf32, #tpu.memory_space<vmem>> -> memref<32x1024xf32, #tpu.memory_space<vmem>>
    %dma_wait3A_73 = arith.constant 0 : i32
    %dma_wait3A_74 = tpu.memref_slice %arg3[%add3A_18, %add3A_36, %dma_wait3A_73] : memref<8x2048x1024xf32, #tpu.memory_space<hbm>> -> memref<1x32x1024xf32, #tpu.memory_space<hbm>>
    %dma_wait3A_75 = tpu.memref_squeeze %dma_wait3A_74 : memref<1x32x1024xf32, #tpu.memory_space<hbm>> -> memref<32x1024xf32, #tpu.memory_space<hbm>>
    %dma_wait3A_76 = arith.constant 0 : i32
    %dma_wait3A_77 = tpu.memref_slice %arg3[%add3A_18, %add3A_36, %dma_wait3A_76] : memref<8x2048x1024xf32, #tpu.memory_space<hbm>> -> memref<1x32x1024xf32, #tpu.memory_space<hbm>>
    %dma_wait3A_78 = tpu.memref_squeeze %dma_wait3A_77 : memref<1x32x1024xf32, #tpu.memory_space<hbm>> -> memref<32x1024xf32, #tpu.memory_space<hbm>>
    %dma_wait3A_79 = arith.constant 0 : i32
    %dma_wait3A_80 = arith.constant 0 : i32
    %dma_wait3A_81 = tpu.memref_slice %arg4[%dma_wait3A, %dma_wait3A_79, %dma_wait3A_80] : memref<2x32x1024xf32, #tpu.memory_space<vmem>> -> memref<1x32x1024xf32, #tpu.memory_space<vmem>>
    %dma_wait3A_82 = tpu.memref_squeeze %dma_wait3A_81 : memref<1x32x1024xf32, #tpu.memory_space<vmem>> -> memref<32x1024xf32, #tpu.memory_space<vmem>>
    tpu.wait_dma2 semaphore(%arg5 : memref<!tpu.dma_semaphore, #tpu.memory_space<semaphore_mem>>) src(%dma_wait3A_82 : memref<32x1024xf32, #tpu.memory_space<vmem>>) dst(%dma_wait3A_78 : memref<32x1024xf32, #tpu.memory_space<hbm>>)
    %add3A_83 = arith.constant 64 : i32
    %add3A_84 = arith.addi %mul3A_34, %add3A_83 : i32
    %run_scoped3A_85 = arith.constant 0 : i32
    "tpu.region"() ({
      %run_scoped3A_296 = tpu.sem_alloc : memref<!tpu.dma_semaphore, #tpu.memory_space<semaphore_mem>>
      %dma_start3A_297 = arith.constant 0 : i32
      %dma_start3A_298 = arith.constant 0 : i32
      %dma_start3A_299 = tpu.memref_slice %arg4[%run_scoped3A_85, %dma_start3A_297, %dma_start3A_298] : memref<2x32x1024xf32, #tpu.memory_space<vmem>> -> memref<1x32x1024xf32, #tpu.memory_space<vmem>>
      %dma_start3A_300 = tpu.memref_squeeze %dma_start3A_299 : memref<1x32x1024xf32, #tpu.memory_space<vmem>> -> memref<32x1024xf32, #tpu.memory_space<vmem>>
      %dma_start3A_301 = arith.constant 0 : i32
      %dma_start3A_302 = tpu.memref_slice %arg2[%add3A_18, %add3A_84, %dma_start3A_301] : memref<8x2048x1024xf32, #tpu.memory_space<hbm>> -> memref<1x32x1024xf32, #tpu.memory_space<hbm>>
      %dma_start3A_303 = tpu.memref_squeeze %dma_start3A_302 : memref<1x32x1024xf32, #tpu.memory_space<hbm>> -> memref<32x1024xf32, #tpu.memory_space<hbm>>
      %dma_start3A_304 = arith.constant 0 : i32
      %dma_start3A_305 = arith.constant 0 : i32
      %dma_start3A_306 = tpu.memref_slice %arg4[%run_scoped3A_85, %dma_start3A_304, %dma_start3A_305] : memref<2x32x1024xf32, #tpu.memory_space<vmem>> -> memref<1x32x1024xf32, #tpu.memory_space<vmem>>
      %dma_start3A_307 = tpu.memref_squeeze %dma_start3A_306 : memref<1x32x1024xf32, #tpu.memory_space<vmem>> -> memref<32x1024xf32, #tpu.memory_space<vmem>>
      %dma_start3A_308 = arith.constant 0 : i32
      %dma_start3A_309 = tpu.memref_slice %arg2[%add3A_18, %add3A_84, %dma_start3A_308] : memref<8x2048x1024xf32, #tpu.memory_space<hbm>> -> memref<1x32x1024xf32, #tpu.memory_space<hbm>>
      %dma_start3A_310 = tpu.memref_squeeze %dma_start3A_309 : memref<1x32x1024xf32, #tpu.memory_space<hbm>> -> memref<32x1024xf32, #tpu.memory_space<hbm>>
      tpu.enqueue_dma source(%dma_start3A_310 : memref<32x1024xf32, #tpu.memory_space<hbm>>) target(%dma_start3A_307 : memref<32x1024xf32, #tpu.memory_space<vmem>>) target_semaphore(%run_scoped3A_296 : memref<!tpu.dma_semaphore, #tpu.memory_space<semaphore_mem>>)
      %dma_wait3A_311 = arith.constant 0 : i32
      %dma_wait3A_312 = arith.constant 0 : i32
      %dma_wait3A_313 = tpu.memref_slice %arg4[%run_scoped3A_85, %dma_wait3A_311, %dma_wait3A_312] : memref<2x32x1024xf32, #tpu.memory_space<vmem>> -> memref<1x32x1024xf32, #tpu.memory_space<vmem>>
      %dma_wait3A_314 = tpu.memref_squeeze %dma_wait3A_313 : memref<1x32x1024xf32, #tpu.memory_space<vmem>> -> memref<32x1024xf32, #tpu.memory_space<vmem>>
      %dma_wait3A_315 = arith.constant 0 : i32
      %dma_wait3A_316 = tpu.memref_slice %arg2[%add3A_18, %add3A_84, %dma_wait3A_315] : memref<8x2048x1024xf32, #tpu.memory_space<hbm>> -> memref<1x32x1024xf32, #tpu.memory_space<hbm>>
      %dma_wait3A_317 = tpu.memref_squeeze %dma_wait3A_316 : memref<1x32x1024xf32, #tpu.memory_space<hbm>> -> memref<32x1024xf32, #tpu.memory_space<hbm>>
      %dma_wait3A_318 = arith.constant 0 : i32
      %dma_wait3A_319 = arith.constant 0 : i32
      %dma_wait3A_320 = tpu.memref_slice %arg4[%run_scoped3A_85, %dma_wait3A_318, %dma_wait3A_319] : memref<2x32x1024xf32, #tpu.memory_space<vmem>> -> memref<1x32x1024xf32, #tpu.memory_space<vmem>>
      %dma_wait3A_321 = tpu.memref_squeeze %dma_wait3A_320 : memref<1x32x1024xf32, #tpu.memory_space<vmem>> -> memref<32x1024xf32, #tpu.memory_space<vmem>>
      %dma_wait3A_322 = arith.constant 0 : i32
      %dma_wait3A_323 = tpu.memref_slice %arg2[%add3A_18, %add3A_84, %dma_wait3A_322] : memref<8x2048x1024xf32, #tpu.memory_space<hbm>> -> memref<1x32x1024xf32, #tpu.memory_space<hbm>>
      %dma_wait3A_324 = tpu.memref_squeeze %dma_wait3A_323 : memref<1x32x1024xf32, #tpu.memory_space<hbm>> -> memref<32x1024xf32, #tpu.memory_space<hbm>>
      tpu.wait_dma2 semaphore(%run_scoped3A_296 : memref<!tpu.dma_semaphore, #tpu.memory_space<semaphore_mem>>) src(%dma_wait3A_324 : memref<32x1024xf32, #tpu.memory_space<hbm>>) dst(%dma_wait3A_321 : memref<32x1024xf32, #tpu.memory_space<vmem>>)
      tpu.yield
    }) : () -> ()
    %dma_start3A_86 = arith.constant 0 : i32
    %dma_start3A_87 = arith.constant 0 : i32
    %dma_start3A_88 = arith.constant 0 : i32
    %dma_start3A_89 = tpu.memref_slice %arg4[%dma_start3A_86, %dma_start3A_87, %dma_start3A_88] : memref<2x32x1024xf32, #tpu.memory_space<vmem>> -> memref<1x32x1024xf32, #tpu.memory_space<vmem>>
    %dma_start3A_90 = tpu.memref_squeeze %dma_start3A_89 : memref<1x32x1024xf32, #tpu.memory_space<vmem>> -> memref<32x1024xf32, #tpu.memory_space<vmem>>
    %dma_start3A_91 = arith.constant 0 : i32
    %dma_start3A_92 = tpu.memref_slice %arg3[%add3A_18, %add3A_84, %dma_start3A_91] : memref<8x2048x1024xf32, #tpu.memory_space<hbm>> -> memref<1x32x1024xf32, #tpu.memory_space<hbm>>
    %dma_start3A_93 = tpu.memref_squeeze %dma_start3A_92 : memref<1x32x1024xf32, #tpu.memory_space<hbm>> -> memref<32x1024xf32, #tpu.memory_space<hbm>>
    %dma_start3A_94 = arith.constant 0 : i32
    %dma_start3A_95 = tpu.memref_slice %arg3[%add3A_18, %add3A_84, %dma_start3A_94] : memref<8x2048x1024xf32, #tpu.memory_space<hbm>> -> memref<1x32x1024xf32, #tpu.memory_space<hbm>>
    %dma_start3A_96 = tpu.memref_squeeze %dma_start3A_95 : memref<1x32x1024xf32, #tpu.memory_space<hbm>> -> memref<32x1024xf32, #tpu.memory_space<hbm>>
    %dma_start3A_97 = arith.constant 0 : i32
    %dma_start3A_98 = arith.constant 0 : i32
    %dma_start3A_99 = tpu.memref_slice %arg4[%dma_start3A_86, %dma_start3A_97, %dma_start3A_98] : memref<2x32x1024xf32, #tpu.memory_space<vmem>> -> memref<1x32x1024xf32, #tpu.memory_space<vmem>>
    %dma_start3A_100 = tpu.memref_squeeze %dma_start3A_99 : memref<1x32x1024xf32, #tpu.memory_space<vmem>> -> memref<32x1024xf32, #tpu.memory_space<vmem>>
    tpu.enqueue_dma source(%dma_start3A_100 : memref<32x1024xf32, #tpu.memory_space<vmem>>) target(%dma_start3A_96 : memref<32x1024xf32, #tpu.memory_space<hbm>>) target_semaphore(%arg5 : memref<!tpu.dma_semaphore, #tpu.memory_space<semaphore_mem>>)
    %dma_wait3A_101 = arith.constant 1 : i32
    %dma_wait3A_102 = arith.constant 0 : i32
    %dma_wait3A_103 = arith.constant 0 : i32
    %dma_wait3A_104 = tpu.memref_slice %arg4[%dma_wait3A_101, %dma_wait3A_102, %dma_wait3A_103] : memref<2x32x1024xf32, #tpu.memory_space<vmem>> -> memref<1x32x1024xf32, #tpu.memory_space<vmem>>
    %dma_wait3A_105 = tpu.memref_squeeze %dma_wait3A_104 : memref<1x32x1024xf32, #tpu.memory_space<vmem>> -> memref<32x1024xf32, #tpu.memory_space<vmem>>
    %dma_wait3A_106 = arith.constant 0 : i32
    %dma_wait3A_107 = tpu.memref_slice %arg3[%add3A_18, %add3A_52, %dma_wait3A_106] : memref<8x2048x1024xf32, #tpu.memory_space<hbm>> -> memref<1x32x1024xf32, #tpu.memory_space<hbm>>
    %dma_wait3A_108 = tpu.memref_squeeze %dma_wait3A_107 : memref<1x32x1024xf32, #tpu.memory_space<hbm>> -> memref<32x1024xf32, #tpu.memory_space<hbm>>
    %dma_wait3A_109 = arith.constant 0 : i32
    %dma_wait3A_110 = tpu.memref_slice %arg3[%add3A_18, %add3A_52, %dma_wait3A_109] : memref<8x2048x1024xf32, #tpu.memory_space<hbm>> -> memref<1x32x1024xf32, #tpu.memory_space<hbm>>
    %dma_wait3A_111 = tpu.memref_squeeze %dma_wait3A_110 : memref<1x32x1024xf32, #tpu.memory_space<hbm>> -> memref<32x1024xf32, #tpu.memory_space<hbm>>
    %dma_wait3A_112 = arith.constant 0 : i32
    %dma_wait3A_113 = arith.constant 0 : i32
    %dma_wait3A_114 = tpu.memref_slice %arg4[%dma_wait3A_101, %dma_wait3A_112, %dma_wait3A_113] : memref<2x32x1024xf32, #tpu.memory_space<vmem>> -> memref<1x32x1024xf32, #tpu.memory_space<vmem>>
    %dma_wait3A_115 = tpu.memref_squeeze %dma_wait3A_114 : memref<1x32x1024xf32, #tpu.memory_space<vmem>> -> memref<32x1024xf32, #tpu.memory_space<vmem>>
    tpu.wait_dma2 semaphore(%arg6 : memref<!tpu.dma_semaphore, #tpu.memory_space<semaphore_mem>>) src(%dma_wait3A_115 : memref<32x1024xf32, #tpu.memory_space<vmem>>) dst(%dma_wait3A_111 : memref<32x1024xf32, #tpu.memory_space<hbm>>)
    %add3A_116 = arith.constant 96 : i32
    %add3A_117 = arith.addi %mul3A_34, %add3A_116 : i32
    %run_scoped3A_118 = arith.constant 1 : i32
    "tpu.region"() ({
      %run_scoped3A_296 = tpu.sem_alloc : memref<!tpu.dma_semaphore, #tpu.memory_space<semaphore_mem>>
      %dma_start3A_297 = arith.constant 0 : i32
      %dma_start3A_298 = arith.constant 0 : i32
      %dma_start3A_299 = tpu.memref_slice %arg4[%run_scoped3A_118, %dma_start3A_297, %dma_start3A_298] : memref<2x32x1024xf32, #tpu.memory_space<vmem>> -> memref<1x32x1024xf32, #tpu.memory_space<vmem>>
      %dma_start3A_300 = tpu.memref_squeeze %dma_start3A_299 : memref<1x32x1024xf32, #tpu.memory_space<vmem>> -> memref<32x1024xf32, #tpu.memory_space<vmem>>
      %dma_start3A_301 = arith.constant 0 : i32
      %dma_start3A_302 = tpu.memref_slice %arg2[%add3A_18, %add3A_117, %dma_start3A_301] : memref<8x2048x1024xf32, #tpu.memory_space<hbm>> -> memref<1x32x1024xf32, #tpu.memory_space<hbm>>
      %dma_start3A_303 = tpu.memref_squeeze %dma_start3A_302 : memref<1x32x1024xf32, #tpu.memory_space<hbm>> -> memref<32x1024xf32, #tpu.memory_space<hbm>>
      %dma_start3A_304 = arith.constant 0 : i32
      %dma_start3A_305 = arith.constant 0 : i32
      %dma_start3A_306 = tpu.memref_slice %arg4[%run_scoped3A_118, %dma_start3A_304, %dma_start3A_305] : memref<2x32x1024xf32, #tpu.memory_space<vmem>> -> memref<1x32x1024xf32, #tpu.memory_space<vmem>>
      %dma_start3A_307 = tpu.memref_squeeze %dma_start3A_306 : memref<1x32x1024xf32, #tpu.memory_space<vmem>> -> memref<32x1024xf32, #tpu.memory_space<vmem>>
      %dma_start3A_308 = arith.constant 0 : i32
      %dma_start3A_309 = tpu.memref_slice %arg2[%add3A_18, %add3A_117, %dma_start3A_308] : memref<8x2048x1024xf32, #tpu.memory_space<hbm>> -> memref<1x32x1024xf32, #tpu.memory_space<hbm>>
      %dma_start3A_310 = tpu.memref_squeeze %dma_start3A_309 : memref<1x32x1024xf32, #tpu.memory_space<hbm>> -> memref<32x1024xf32, #tpu.memory_space<hbm>>
      tpu.enqueue_dma source(%dma_start3A_310 : memref<32x1024xf32, #tpu.memory_space<hbm>>) target(%dma_start3A_307 : memref<32x1024xf32, #tpu.memory_space<vmem>>) target_semaphore(%run_scoped3A_296 : memref<!tpu.dma_semaphore, #tpu.memory_space<semaphore_mem>>)
      %dma_wait3A_311 = arith.constant 0 : i32
      %dma_wait3A_312 = arith.constant 0 : i32
      %dma_wait3A_313 = tpu.memref_slice %arg4[%run_scoped3A_118, %dma_wait3A_311, %dma_wait3A_312] : memref<2x32x1024xf32, #tpu.memory_space<vmem>> -> memref<1x32x1024xf32, #tpu.memory_space<vmem>>
      %dma_wait3A_314 = tpu.memref_squeeze %dma_wait3A_313 : memref<1x32x1024xf32, #tpu.memory_space<vmem>> -> memref<32x1024xf32, #tpu.memory_space<vmem>>
      %dma_wait3A_315 = arith.constant 0 : i32
      %dma_wait3A_316 = tpu.memref_slice %arg2[%add3A_18, %add3A_117, %dma_wait3A_315] : memref<8x2048x1024xf32, #tpu.memory_space<hbm>> -> memref<1x32x1024xf32, #tpu.memory_space<hbm>>
      %dma_wait3A_317 = tpu.memref_squeeze %dma_wait3A_316 : memref<1x32x1024xf32, #tpu.memory_space<hbm>> -> memref<32x1024xf32, #tpu.memory_space<hbm>>
      %dma_wait3A_318 = arith.constant 0 : i32
      %dma_wait3A_319 = arith.constant 0 : i32
      %dma_wait3A_320 = tpu.memref_slice %arg4[%run_scoped3A_118, %dma_wait3A_318, %dma_wait3A_319] : memref<2x32x1024xf32, #tpu.memory_space<vmem>> -> memref<1x32x1024xf32, #tpu.memory_space<vmem>>
      %dma_wait3A_321 = tpu.memref_squeeze %dma_wait3A_320 : memref<1x32x1024xf32, #tpu.memory_space<vmem>> -> memref<32x1024xf32, #tpu.memory_space<vmem>>
      %dma_wait3A_322 = arith.constant 0 : i32
      %dma_wait3A_323 = tpu.memref_slice %arg2[%add3A_18, %add3A_117, %dma_wait3A_322] : memref<8x2048x1024xf32, #tpu.memory_space<hbm>> -> memref<1x32x1024xf32, #tpu.memory_space<hbm>>
      %dma_wait3A_324 = tpu.memref_squeeze %dma_wait3A_323 : memref<1x32x1024xf32, #tpu.memory_space<hbm>> -> memref<32x1024xf32, #tpu.memory_space<hbm>>
      tpu.wait_dma2 semaphore(%run_scoped3A_296 : memref<!tpu.dma_semaphore, #tpu.memory_space<semaphore_mem>>) src(%dma_wait3A_324 : memref<32x1024xf32, #tpu.memory_space<hbm>>) dst(%dma_wait3A_321 : memref<32x1024xf32, #tpu.memory_space<vmem>>)
      tpu.yield
    }) : () -> ()
    %dma_start3A_119 = arith.constant 1 : i32
    %dma_start3A_120 = arith.constant 0 : i32
    %dma_start3A_121 = arith.constant 0 : i32
    %dma_start3A_122 = tpu.memref_slice %arg4[%dma_start3A_119, %dma_start3A_120, %dma_start3A_121] : memref<2x32x1024xf32, #tpu.memory_space<vmem>> -> memref<1x32x1024xf32, #tpu.memory_space<vmem>>
    %dma_start3A_123 = tpu.memref_squeeze %dma_start3A_122 : memref<1x32x1024xf32, #tpu.memory_space<vmem>> -> memref<32x1024xf32, #tpu.memory_space<vmem>>
    %dma_start3A_124 = arith.constant 0 : i32
    %dma_start3A_125 = tpu.memref_slice %arg3[%add3A_18, %add3A_117, %dma_start3A_124] : memref<8x2048x1024xf32, #tpu.memory_space<hbm>> -> memref<1x32x1024xf32, #tpu.memory_space<hbm>>
    %dma_start3A_126 = tpu.memref_squeeze %dma_start3A_125 : memref<1x32x1024xf32, #tpu.memory_space<hbm>> -> memref<32x1024xf32, #tpu.memory_space<hbm>>
    %dma_start3A_127 = arith.constant 0 : i32
    %dma_start3A_128 = tpu.memref_slice %arg3[%add3A_18, %add3A_117, %dma_start3A_127] : memref<8x2048x1024xf32, #tpu.memory_space<hbm>> -> memref<1x32x1024xf32, #tpu.memory_space<hbm>>
    %dma_start3A_129 = tpu.memref_squeeze %dma_start3A_128 : memref<1x32x1024xf32, #tpu.memory_space<hbm>> -> memref<32x1024xf32, #tpu.memory_space<hbm>>
    %dma_start3A_130 = arith.constant 0 : i32
    %dma_start3A_131 = arith.constant 0 : i32
    %dma_start3A_132 = tpu.memref_slice %arg4[%dma_start3A_119, %dma_start3A_130, %dma_start3A_131] : memref<2x32x1024xf32, #tpu.memory_space<vmem>> -> memref<1x32x1024xf32, #tpu.memory_space<vmem>>
    %dma_start3A_133 = tpu.memref_squeeze %dma_start3A_132 : memref<1x32x1024xf32, #tpu.memory_space<vmem>> -> memref<32x1024xf32, #tpu.memory_space<vmem>>
    tpu.enqueue_dma source(%dma_start3A_133 : memref<32x1024xf32, #tpu.memory_space<vmem>>) target(%dma_start3A_129 : memref<32x1024xf32, #tpu.memory_space<hbm>>) target_semaphore(%arg6 : memref<!tpu.dma_semaphore, #tpu.memory_space<semaphore_mem>>)
    %dma_wait3A_134 = arith.constant 0 : i32
    %dma_wait3A_135 = arith.constant 0 : i32
    %dma_wait3A_136 = arith.constant 0 : i32
    %dma_wait3A_137 = tpu.memref_slice %arg4[%dma_wait3A_134, %dma_wait3A_135, %dma_wait3A_136] : memref<2x32x1024xf32, #tpu.memory_space<vmem>> -> memref<1x32x1024xf32, #tpu.memory_space<vmem>>
    %dma_wait3A_138 = tpu.memref_squeeze %dma_wait3A_137 : memref<1x32x1024xf32, #tpu.memory_space<vmem>> -> memref<32x1024xf32, #tpu.memory_space<vmem>>
    %dma_wait3A_139 = arith.constant 0 : i32
    %dma_wait3A_140 = tpu.memref_slice %arg3[%add3A_18, %add3A_84, %dma_wait3A_139] : memref<8x2048x1024xf32, #tpu.memory_space<hbm>> -> memref<1x32x1024xf32, #tpu.memory_space<hbm>>
    %dma_wait3A_141 = tpu.memref_squeeze %dma_wait3A_140 : memref<1x32x1024xf32, #tpu.memory_space<hbm>> -> memref<32x1024xf32, #tpu.memory_space<hbm>>
    %dma_wait3A_142 = arith.constant 0 : i32
    %dma_wait3A_143 = tpu.memref_slice %arg3[%add3A_18, %add3A_84, %dma_wait3A_142] : memref<8x2048x1024xf32, #tpu.memory_space<hbm>> -> memref<1x32x1024xf32, #tpu.memory_space<hbm>>
    %dma_wait3A_144 = tpu.memref_squeeze %dma_wait3A_143 : memref<1x32x1024xf32, #tpu.memory_space<hbm>> -> memref<32x1024xf32, #tpu.memory_space<hbm>>
    %dma_wait3A_145 = arith.constant 0 : i32
    %dma_wait3A_146 = arith.constant 0 : i32
    %dma_wait3A_147 = tpu.memref_slice %arg4[%dma_wait3A_134, %dma_wait3A_145, %dma_wait3A_146] : memref<2x32x1024xf32, #tpu.memory_space<vmem>> -> memref<1x32x1024xf32, #tpu.memory_space<vmem>>
    %dma_wait3A_148 = tpu.memref_squeeze %dma_wait3A_147 : memref<1x32x1024xf32, #tpu.memory_space<vmem>> -> memref<32x1024xf32, #tpu.memory_space<vmem>>
    tpu.wait_dma2 semaphore(%arg5 : memref<!tpu.dma_semaphore, #tpu.memory_space<semaphore_mem>>) src(%dma_wait3A_148 : memref<32x1024xf32, #tpu.memory_space<vmem>>) dst(%dma_wait3A_144 : memref<32x1024xf32, #tpu.memory_space<hbm>>)
    %add3A_149 = arith.constant 128 : i32
    %add3A_150 = arith.addi %mul3A_34, %add3A_149 : i32
    %run_scoped3A_151 = arith.constant 0 : i32
    "tpu.region"() ({
      %run_scoped3A_296 = tpu.sem_alloc : memref<!tpu.dma_semaphore, #tpu.memory_space<semaphore_mem>>
      %dma_start3A_297 = arith.constant 0 : i32
      %dma_start3A_298 = arith.constant 0 : i32
      %dma_start3A_299 = tpu.memref_slice %arg4[%run_scoped3A_151, %dma_start3A_297, %dma_start3A_298] : memref<2x32x1024xf32, #tpu.memory_space<vmem>> -> memref<1x32x1024xf32, #tpu.memory_space<vmem>>
      %dma_start3A_300 = tpu.memref_squeeze %dma_start3A_299 : memref<1x32x1024xf32, #tpu.memory_space<vmem>> -> memref<32x1024xf32, #tpu.memory_space<vmem>>
      %dma_start3A_301 = arith.constant 0 : i32
      %dma_start3A_302 = tpu.memref_slice %arg2[%add3A_18, %add3A_150, %dma_start3A_301] : memref<8x2048x1024xf32, #tpu.memory_space<hbm>> -> memref<1x32x1024xf32, #tpu.memory_space<hbm>>
      %dma_start3A_303 = tpu.memref_squeeze %dma_start3A_302 : memref<1x32x1024xf32, #tpu.memory_space<hbm>> -> memref<32x1024xf32, #tpu.memory_space<hbm>>
      %dma_start3A_304 = arith.constant 0 : i32
      %dma_start3A_305 = arith.constant 0 : i32
      %dma_start3A_306 = tpu.memref_slice %arg4[%run_scoped3A_151, %dma_start3A_304, %dma_start3A_305] : memref<2x32x1024xf32, #tpu.memory_space<vmem>> -> memref<1x32x1024xf32, #tpu.memory_space<vmem>>
      %dma_start3A_307 = tpu.memref_squeeze %dma_start3A_306 : memref<1x32x1024xf32, #tpu.memory_space<vmem>> -> memref<32x1024xf32, #tpu.memory_space<vmem>>
      %dma_start3A_308 = arith.constant 0 : i32
      %dma_start3A_309 = tpu.memref_slice %arg2[%add3A_18, %add3A_150, %dma_start3A_308] : memref<8x2048x1024xf32, #tpu.memory_space<hbm>> -> memref<1x32x1024xf32, #tpu.memory_space<hbm>>
      %dma_start3A_310 = tpu.memref_squeeze %dma_start3A_309 : memref<1x32x1024xf32, #tpu.memory_space<hbm>> -> memref<32x1024xf32, #tpu.memory_space<hbm>>
      tpu.enqueue_dma source(%dma_start3A_310 : memref<32x1024xf32, #tpu.memory_space<hbm>>) target(%dma_start3A_307 : memref<32x1024xf32, #tpu.memory_space<vmem>>) target_semaphore(%run_scoped3A_296 : memref<!tpu.dma_semaphore, #tpu.memory_space<semaphore_mem>>)
      %dma_wait3A_311 = arith.constant 0 : i32
      %dma_wait3A_312 = arith.constant 0 : i32
      %dma_wait3A_313 = tpu.memref_slice %arg4[%run_scoped3A_151, %dma_wait3A_311, %dma_wait3A_312] : memref<2x32x1024xf32, #tpu.memory_space<vmem>> -> memref<1x32x1024xf32, #tpu.memory_space<vmem>>
      %dma_wait3A_314 = tpu.memref_squeeze %dma_wait3A_313 : memref<1x32x1024xf32, #tpu.memory_space<vmem>> -> memref<32x1024xf32, #tpu.memory_space<vmem>>
      %dma_wait3A_315 = arith.constant 0 : i32
      %dma_wait3A_316 = tpu.memref_slice %arg2[%add3A_18, %add3A_150, %dma_wait3A_315] : memref<8x2048x1024xf32, #tpu.memory_space<hbm>> -> memref<1x32x1024xf32, #tpu.memory_space<hbm>>
      %dma_wait3A_317 = tpu.memref_squeeze %dma_wait3A_316 : memref<1x32x1024xf32, #tpu.memory_space<hbm>> -> memref<32x1024xf32, #tpu.memory_space<hbm>>
      %dma_wait3A_318 = arith.constant 0 : i32
      %dma_wait3A_319 = arith.constant 0 : i32
      %dma_wait3A_320 = tpu.memref_slice %arg4[%run_scoped3A_151, %dma_wait3A_318, %dma_wait3A_319] : memref<2x32x1024xf32, #tpu.memory_space<vmem>> -> memref<1x32x1024xf32, #tpu.memory_space<vmem>>
      %dma_wait3A_321 = tpu.memref_squeeze %dma_wait3A_320 : memref<1x32x1024xf32, #tpu.memory_space<vmem>> -> memref<32x1024xf32, #tpu.memory_space<vmem>>
      %dma_wait3A_322 = arith.constant 0 : i32
      %dma_wait3A_323 = tpu.memref_slice %arg2[%add3A_18, %add3A_150, %dma_wait3A_322] : memref<8x2048x1024xf32, #tpu.memory_space<hbm>> -> memref<1x32x1024xf32, #tpu.memory_space<hbm>>
      %dma_wait3A_324 = tpu.memref_squeeze %dma_wait3A_323 : memref<1x32x1024xf32, #tpu.memory_space<hbm>> -> memref<32x1024xf32, #tpu.memory_space<hbm>>
      tpu.wait_dma2 semaphore(%run_scoped3A_296 : memref<!tpu.dma_semaphore, #tpu.memory_space<semaphore_mem>>) src(%dma_wait3A_324 : memref<32x1024xf32, #tpu.memory_space<hbm>>) dst(%dma_wait3A_321 : memref<32x1024xf32, #tpu.memory_space<vmem>>)
      tpu.yield
    }) : () -> ()
    %dma_start3A_152 = arith.constant 0 : i32
    %dma_start3A_153 = arith.constant 0 : i32
    %dma_start3A_154 = arith.constant 0 : i32
    %dma_start3A_155 = tpu.memref_slice %arg4[%dma_start3A_152, %dma_start3A_153, %dma_start3A_154] : memref<2x32x1024xf32, #tpu.memory_space<vmem>> -> memref<1x32x1024xf32, #tpu.memory_space<vmem>>
    %dma_start3A_156 = tpu.memref_squeeze %dma_start3A_155 : memref<1x32x1024xf32, #tpu.memory_space<vmem>> -> memref<32x1024xf32, #tpu.memory_space<vmem>>
    %dma_start3A_157 = arith.constant 0 : i32
    %dma_start3A_158 = tpu.memref_slice %arg3[%add3A_18, %add3A_150, %dma_start3A_157] : memref<8x2048x1024xf32, #tpu.memory_space<hbm>> -> memref<1x32x1024xf32, #tpu.memory_space<hbm>>
    %dma_start3A_159 = tpu.memref_squeeze %dma_start3A_158 : memref<1x32x1024xf32, #tpu.memory_space<hbm>> -> memref<32x1024xf32, #tpu.memory_space<hbm>>
    %dma_start3A_160 = arith.constant 0 : i32
    %dma_start3A_161 = tpu.memref_slice %arg3[%add3A_18, %add3A_150, %dma_start3A_160] : memref<8x2048x1024xf32, #tpu.memory_space<hbm>> -> memref<1x32x1024xf32, #tpu.memory_space<hbm>>
    %dma_start3A_162 = tpu.memref_squeeze %dma_start3A_161 : memref<1x32x1024xf32, #tpu.memory_space<hbm>> -> memref<32x1024xf32, #tpu.memory_space<hbm>>
    %dma_start3A_163 = arith.constant 0 : i32
    %dma_start3A_164 = arith.constant 0 : i32
    %dma_start3A_165 = tpu.memref_slice %arg4[%dma_start3A_152, %dma_start3A_163, %dma_start3A_164] : memref<2x32x1024xf32, #tpu.memory_space<vmem>> -> memref<1x32x1024xf32, #tpu.memory_space<vmem>>
    %dma_start3A_166 = tpu.memref_squeeze %dma_start3A_165 : memref<1x32x1024xf32, #tpu.memory_space<vmem>> -> memref<32x1024xf32, #tpu.memory_space<vmem>>
    tpu.enqueue_dma source(%dma_start3A_166 : memref<32x1024xf32, #tpu.memory_space<vmem>>) target(%dma_start3A_162 : memref<32x1024xf32, #tpu.memory_space<hbm>>) target_semaphore(%arg5 : memref<!tpu.dma_semaphore, #tpu.memory_space<semaphore_mem>>)
    %dma_wait3A_167 = arith.constant 1 : i32
    %dma_wait3A_168 = arith.constant 0 : i32
    %dma_wait3A_169 = arith.constant 0 : i32
    %dma_wait3A_170 = tpu.memref_slice %arg4[%dma_wait3A_167, %dma_wait3A_168, %dma_wait3A_169] : memref<2x32x1024xf32, #tpu.memory_space<vmem>> -> memref<1x32x1024xf32, #tpu.memory_space<vmem>>
    %dma_wait3A_171 = tpu.memref_squeeze %dma_wait3A_170 : memref<1x32x1024xf32, #tpu.memory_space<vmem>> -> memref<32x1024xf32, #tpu.memory_space<vmem>>
    %dma_wait3A_172 = arith.constant 0 : i32
    %dma_wait3A_173 = tpu.memref_slice %arg3[%add3A_18, %add3A_117, %dma_wait3A_172] : memref<8x2048x1024xf32, #tpu.memory_space<hbm>> -> memref<1x32x1024xf32, #tpu.memory_space<hbm>>
    %dma_wait3A_174 = tpu.memref_squeeze %dma_wait3A_173 : memref<1x32x1024xf32, #tpu.memory_space<hbm>> -> memref<32x1024xf32, #tpu.memory_space<hbm>>
    %dma_wait3A_175 = arith.constant 0 : i32
    %dma_wait3A_176 = tpu.memref_slice %arg3[%add3A_18, %add3A_117, %dma_wait3A_175] : memref<8x2048x1024xf32, #tpu.memory_space<hbm>> -> memref<1x32x1024xf32, #tpu.memory_space<hbm>>
    %dma_wait3A_177 = tpu.memref_squeeze %dma_wait3A_176 : memref<1x32x1024xf32, #tpu.memory_space<hbm>> -> memref<32x1024xf32, #tpu.memory_space<hbm>>
    %dma_wait3A_178 = arith.constant 0 : i32
    %dma_wait3A_179 = arith.constant 0 : i32
    %dma_wait3A_180 = tpu.memref_slice %arg4[%dma_wait3A_167, %dma_wait3A_178, %dma_wait3A_179] : memref<2x32x1024xf32, #tpu.memory_space<vmem>> -> memref<1x32x1024xf32, #tpu.memory_space<vmem>>
    %dma_wait3A_181 = tpu.memref_squeeze %dma_wait3A_180 : memref<1x32x1024xf32, #tpu.memory_space<vmem>> -> memref<32x1024xf32, #tpu.memory_space<vmem>>
    tpu.wait_dma2 semaphore(%arg6 : memref<!tpu.dma_semaphore, #tpu.memory_space<semaphore_mem>>) src(%dma_wait3A_181 : memref<32x1024xf32, #tpu.memory_space<vmem>>) dst(%dma_wait3A_177 : memref<32x1024xf32, #tpu.memory_space<hbm>>)
    %add3A_182 = arith.constant 160 : i32
    %add3A_183 = arith.addi %mul3A_34, %add3A_182 : i32
    %run_scoped3A_184 = arith.constant 1 : i32
    "tpu.region"() ({
      %run_scoped3A_296 = tpu.sem_alloc : memref<!tpu.dma_semaphore, #tpu.memory_space<semaphore_mem>>
      %dma_start3A_297 = arith.constant 0 : i32
      %dma_start3A_298 = arith.constant 0 : i32
      %dma_start3A_299 = tpu.memref_slice %arg4[%run_scoped3A_184, %dma_start3A_297, %dma_start3A_298] : memref<2x32x1024xf32, #tpu.memory_space<vmem>> -> memref<1x32x1024xf32, #tpu.memory_space<vmem>>
      %dma_start3A_300 = tpu.memref_squeeze %dma_start3A_299 : memref<1x32x1024xf32, #tpu.memory_space<vmem>> -> memref<32x1024xf32, #tpu.memory_space<vmem>>
      %dma_start3A_301 = arith.constant 0 : i32
      %dma_start3A_302 = tpu.memref_slice %arg2[%add3A_18, %add3A_183, %dma_start3A_301] : memref<8x2048x1024xf32, #tpu.memory_space<hbm>> -> memref<1x32x1024xf32, #tpu.memory_space<hbm>>
      %dma_start3A_303 = tpu.memref_squeeze %dma_start3A_302 : memref<1x32x1024xf32, #tpu.memory_space<hbm>> -> memref<32x1024xf32, #tpu.memory_space<hbm>>
      %dma_start3A_304 = arith.constant 0 : i32
      %dma_start3A_305 = arith.constant 0 : i32
      %dma_start3A_306 = tpu.memref_slice %arg4[%run_scoped3A_184, %dma_start3A_304, %dma_start3A_305] : memref<2x32x1024xf32, #tpu.memory_space<vmem>> -> memref<1x32x1024xf32, #tpu.memory_space<vmem>>
      %dma_start3A_307 = tpu.memref_squeeze %dma_start3A_306 : memref<1x32x1024xf32, #tpu.memory_space<vmem>> -> memref<32x1024xf32, #tpu.memory_space<vmem>>
      %dma_start3A_308 = arith.constant 0 : i32
      %dma_start3A_309 = tpu.memref_slice %arg2[%add3A_18, %add3A_183, %dma_start3A_308] : memref<8x2048x1024xf32, #tpu.memory_space<hbm>> -> memref<1x32x1024xf32, #tpu.memory_space<hbm>>
      %dma_start3A_310 = tpu.memref_squeeze %dma_start3A_309 : memref<1x32x1024xf32, #tpu.memory_space<hbm>> -> memref<32x1024xf32, #tpu.memory_space<hbm>>
      tpu.enqueue_dma source(%dma_start3A_310 : memref<32x1024xf32, #tpu.memory_space<hbm>>) target(%dma_start3A_307 : memref<32x1024xf32, #tpu.memory_space<vmem>>) target_semaphore(%run_scoped3A_296 : memref<!tpu.dma_semaphore, #tpu.memory_space<semaphore_mem>>)
      %dma_wait3A_311 = arith.constant 0 : i32
      %dma_wait3A_312 = arith.constant 0 : i32
      %dma_wait3A_313 = tpu.memref_slice %arg4[%run_scoped3A_184, %dma_wait3A_311, %dma_wait3A_312] : memref<2x32x1024xf32, #tpu.memory_space<vmem>> -> memref<1x32x1024xf32, #tpu.memory_space<vmem>>
      %dma_wait3A_314 = tpu.memref_squeeze %dma_wait3A_313 : memref<1x32x1024xf32, #tpu.memory_space<vmem>> -> memref<32x1024xf32, #tpu.memory_space<vmem>>
      %dma_wait3A_315 = arith.constant 0 : i32
      %dma_wait3A_316 = tpu.memref_slice %arg2[%add3A_18, %add3A_183, %dma_wait3A_315] : memref<8x2048x1024xf32, #tpu.memory_space<hbm>> -> memref<1x32x1024xf32, #tpu.memory_space<hbm>>
      %dma_wait3A_317 = tpu.memref_squeeze %dma_wait3A_316 : memref<1x32x1024xf32, #tpu.memory_space<hbm>> -> memref<32x1024xf32, #tpu.memory_space<hbm>>
      %dma_wait3A_318 = arith.constant 0 : i32
      %dma_wait3A_319 = arith.constant 0 : i32
      %dma_wait3A_320 = tpu.memref_slice %arg4[%run_scoped3A_184, %dma_wait3A_318, %dma_wait3A_319] : memref<2x32x1024xf32, #tpu.memory_space<vmem>> -> memref<1x32x1024xf32, #tpu.memory_space<vmem>>
      %dma_wait3A_321 = tpu.memref_squeeze %dma_wait3A_320 : memref<1x32x1024xf32, #tpu.memory_space<vmem>> -> memref<32x1024xf32, #tpu.memory_space<vmem>>
      %dma_wait3A_322 = arith.constant 0 : i32
      %dma_wait3A_323 = tpu.memref_slice %arg2[%add3A_18, %add3A_183, %dma_wait3A_322] : memref<8x2048x1024xf32, #tpu.memory_space<hbm>> -> memref<1x32x1024xf32, #tpu.memory_space<hbm>>
      %dma_wait3A_324 = tpu.memref_squeeze %dma_wait3A_323 : memref<1x32x1024xf32, #tpu.memory_space<hbm>> -> memref<32x1024xf32, #tpu.memory_space<hbm>>
      tpu.wait_dma2 semaphore(%run_scoped3A_296 : memref<!tpu.dma_semaphore, #tpu.memory_space<semaphore_mem>>) src(%dma_wait3A_324 : memref<32x1024xf32, #tpu.memory_space<hbm>>) dst(%dma_wait3A_321 : memref<32x1024xf32, #tpu.memory_space<vmem>>)
      tpu.yield
    }) : () -> ()
    %dma_start3A_185 = arith.constant 1 : i32
    %dma_start3A_186 = arith.constant 0 : i32
    %dma_start3A_187 = arith.constant 0 : i32
    %dma_start3A_188 = tpu.memref_slice %arg4[%dma_start3A_185, %dma_start3A_186, %dma_start3A_187] : memref<2x32x1024xf32, #tpu.memory_space<vmem>> -> memref<1x32x1024xf32, #tpu.memory_space<vmem>>
    %dma_start3A_189 = tpu.memref_squeeze %dma_start3A_188 : memref<1x32x1024xf32, #tpu.memory_space<vmem>> -> memref<32x1024xf32, #tpu.memory_space<vmem>>
    %dma_start3A_190 = arith.constant 0 : i32
    %dma_start3A_191 = tpu.memref_slice %arg3[%add3A_18, %add3A_183, %dma_start3A_190] : memref<8x2048x1024xf32, #tpu.memory_space<hbm>> -> memref<1x32x1024xf32, #tpu.memory_space<hbm>>
    %dma_start3A_192 = tpu.memref_squeeze %dma_start3A_191 : memref<1x32x1024xf32, #tpu.memory_space<hbm>> -> memref<32x1024xf32, #tpu.memory_space<hbm>>
    %dma_start3A_193 = arith.constant 0 : i32
    %dma_start3A_194 = tpu.memref_slice %arg3[%add3A_18, %add3A_183, %dma_start3A_193] : memref<8x2048x1024xf32, #tpu.memory_space<hbm>> -> memref<1x32x1024xf32, #tpu.memory_space<hbm>>
    %dma_start3A_195 = tpu.memref_squeeze %dma_start3A_194 : memref<1x32x1024xf32, #tpu.memory_space<hbm>> -> memref<32x1024xf32, #tpu.memory_space<hbm>>
    %dma_start3A_196 = arith.constant 0 : i32
    %dma_start3A_197 = arith.constant 0 : i32
    %dma_start3A_198 = tpu.memref_slice %arg4[%dma_start3A_185, %dma_start3A_196, %dma_start3A_197] : memref<2x32x1024xf32, #tpu.memory_space<vmem>> -> memref<1x32x1024xf32, #tpu.memory_space<vmem>>
    %dma_start3A_199 = tpu.memref_squeeze %dma_start3A_198 : memref<1x32x1024xf32, #tpu.memory_space<vmem>> -> memref<32x1024xf32, #tpu.memory_space<vmem>>
    tpu.enqueue_dma source(%dma_start3A_199 : memref<32x1024xf32, #tpu.memory_space<vmem>>) target(%dma_start3A_195 : memref<32x1024xf32, #tpu.memory_space<hbm>>) target_semaphore(%arg6 : memref<!tpu.dma_semaphore, #tpu.memory_space<semaphore_mem>>)
    %dma_wait3A_200 = arith.constant 0 : i32
    %dma_wait3A_201 = arith.constant 0 : i32
    %dma_wait3A_202 = arith.constant 0 : i32
    %dma_wait3A_203 = tpu.memref_slice %arg4[%dma_wait3A_200, %dma_wait3A_201, %dma_wait3A_202] : memref<2x32x1024xf32, #tpu.memory_space<vmem>> -> memref<1x32x1024xf32, #tpu.memory_space<vmem>>
    %dma_wait3A_204 = tpu.memref_squeeze %dma_wait3A_203 : memref<1x32x1024xf32, #tpu.memory_space<vmem>> -> memref<32x1024xf32, #tpu.memory_space<vmem>>
    %dma_wait3A_205 = arith.constant 0 : i32
    %dma_wait3A_206 = tpu.memref_slice %arg3[%add3A_18, %add3A_150, %dma_wait3A_205] : memref<8x2048x1024xf32, #tpu.memory_space<hbm>> -> memref<1x32x1024xf32, #tpu.memory_space<hbm>>
    %dma_wait3A_207 = tpu.memref_squeeze %dma_wait3A_206 : memref<1x32x1024xf32, #tpu.memory_space<hbm>> -> memref<32x1024xf32, #tpu.memory_space<hbm>>
    %dma_wait3A_208 = arith.constant 0 : i32
    %dma_wait3A_209 = tpu.memref_slice %arg3[%add3A_18, %add3A_150, %dma_wait3A_208] : memref<8x2048x1024xf32, #tpu.memory_space<hbm>> -> memref<1x32x1024xf32, #tpu.memory_space<hbm>>
    %dma_wait3A_210 = tpu.memref_squeeze %dma_wait3A_209 : memref<1x32x1024xf32, #tpu.memory_space<hbm>> -> memref<32x1024xf32, #tpu.memory_space<hbm>>
    %dma_wait3A_211 = arith.constant 0 : i32
    %dma_wait3A_212 = arith.constant 0 : i32
    %dma_wait3A_213 = tpu.memref_slice %arg4[%dma_wait3A_200, %dma_wait3A_211, %dma_wait3A_212] : memref<2x32x1024xf32, #tpu.memory_space<vmem>> -> memref<1x32x1024xf32, #tpu.memory_space<vmem>>
    %dma_wait3A_214 = tpu.memref_squeeze %dma_wait3A_213 : memref<1x32x1024xf32, #tpu.memory_space<vmem>> -> memref<32x1024xf32, #tpu.memory_space<vmem>>
    tpu.wait_dma2 semaphore(%arg5 : memref<!tpu.dma_semaphore, #tpu.memory_space<semaphore_mem>>) src(%dma_wait3A_214 : memref<32x1024xf32, #tpu.memory_space<vmem>>) dst(%dma_wait3A_210 : memref<32x1024xf32, #tpu.memory_space<hbm>>)
    %add3A_215 = arith.constant 192 : i32
    %add3A_216 = arith.addi %mul3A_34, %add3A_215 : i32
    %run_scoped3A_217 = arith.constant 0 : i32
    "tpu.region"() ({
      %run_scoped3A_296 = tpu.sem_alloc : memref<!tpu.dma_semaphore, #tpu.memory_space<semaphore_mem>>
      %dma_start3A_297 = arith.constant 0 : i32
      %dma_start3A_298 = arith.constant 0 : i32
      %dma_start3A_299 = tpu.memref_slice %arg4[%run_scoped3A_217, %dma_start3A_297, %dma_start3A_298] : memref<2x32x1024xf32, #tpu.memory_space<vmem>> -> memref<1x32x1024xf32, #tpu.memory_space<vmem>>
      %dma_start3A_300 = tpu.memref_squeeze %dma_start3A_299 : memref<1x32x1024xf32, #tpu.memory_space<vmem>> -> memref<32x1024xf32, #tpu.memory_space<vmem>>
      %dma_start3A_301 = arith.constant 0 : i32
      %dma_start3A_302 = tpu.memref_slice %arg2[%add3A_18, %add3A_216, %dma_start3A_301] : memref<8x2048x1024xf32, #tpu.memory_space<hbm>> -> memref<1x32x1024xf32, #tpu.memory_space<hbm>>
      %dma_start3A_303 = tpu.memref_squeeze %dma_start3A_302 : memref<1x32x1024xf32, #tpu.memory_space<hbm>> -> memref<32x1024xf32, #tpu.memory_space<hbm>>
      %dma_start3A_304 = arith.constant 0 : i32
      %dma_start3A_305 = arith.constant 0 : i32
      %dma_start3A_306 = tpu.memref_slice %arg4[%run_scoped3A_217, %dma_start3A_304, %dma_start3A_305] : memref<2x32x1024xf32, #tpu.memory_space<vmem>> -> memref<1x32x1024xf32, #tpu.memory_space<vmem>>
      %dma_start3A_307 = tpu.memref_squeeze %dma_start3A_306 : memref<1x32x1024xf32, #tpu.memory_space<vmem>> -> memref<32x1024xf32, #tpu.memory_space<vmem>>
      %dma_start3A_308 = arith.constant 0 : i32
      %dma_start3A_309 = tpu.memref_slice %arg2[%add3A_18, %add3A_216, %dma_start3A_308] : memref<8x2048x1024xf32, #tpu.memory_space<hbm>> -> memref<1x32x1024xf32, #tpu.memory_space<hbm>>
      %dma_start3A_310 = tpu.memref_squeeze %dma_start3A_309 : memref<1x32x1024xf32, #tpu.memory_space<hbm>> -> memref<32x1024xf32, #tpu.memory_space<hbm>>
      tpu.enqueue_dma source(%dma_start3A_310 : memref<32x1024xf32, #tpu.memory_space<hbm>>) target(%dma_start3A_307 : memref<32x1024xf32, #tpu.memory_space<vmem>>) target_semaphore(%run_scoped3A_296 : memref<!tpu.dma_semaphore, #tpu.memory_space<semaphore_mem>>)
      %dma_wait3A_311 = arith.constant 0 : i32
      %dma_wait3A_312 = arith.constant 0 : i32
      %dma_wait3A_313 = tpu.memref_slice %arg4[%run_scoped3A_217, %dma_wait3A_311, %dma_wait3A_312] : memref<2x32x1024xf32, #tpu.memory_space<vmem>> -> memref<1x32x1024xf32, #tpu.memory_space<vmem>>
      %dma_wait3A_314 = tpu.memref_squeeze %dma_wait3A_313 : memref<1x32x1024xf32, #tpu.memory_space<vmem>> -> memref<32x1024xf32, #tpu.memory_space<vmem>>
      %dma_wait3A_315 = arith.constant 0 : i32
      %dma_wait3A_316 = tpu.memref_slice %arg2[%add3A_18, %add3A_216, %dma_wait3A_315] : memref<8x2048x1024xf32, #tpu.memory_space<hbm>> -> memref<1x32x1024xf32, #tpu.memory_space<hbm>>
      %dma_wait3A_317 = tpu.memref_squeeze %dma_wait3A_316 : memref<1x32x1024xf32, #tpu.memory_space<hbm>> -> memref<32x1024xf32, #tpu.memory_space<hbm>>
      %dma_wait3A_318 = arith.constant 0 : i32
      %dma_wait3A_319 = arith.constant 0 : i32
      %dma_wait3A_320 = tpu.memref_slice %arg4[%run_scoped3A_217, %dma_wait3A_318, %dma_wait3A_319] : memref<2x32x1024xf32, #tpu.memory_space<vmem>> -> memref<1x32x1024xf32, #tpu.memory_space<vmem>>
      %dma_wait3A_321 = tpu.memref_squeeze %dma_wait3A_320 : memref<1x32x1024xf32, #tpu.memory_space<vmem>> -> memref<32x1024xf32, #tpu.memory_space<vmem>>
      %dma_wait3A_322 = arith.constant 0 : i32
      %dma_wait3A_323 = tpu.memref_slice %arg2[%add3A_18, %add3A_216, %dma_wait3A_322] : memref<8x2048x1024xf32, #tpu.memory_space<hbm>> -> memref<1x32x1024xf32, #tpu.memory_space<hbm>>
      %dma_wait3A_324 = tpu.memref_squeeze %dma_wait3A_323 : memref<1x32x1024xf32, #tpu.memory_space<hbm>> -> memref<32x1024xf32, #tpu.memory_space<hbm>>
      tpu.wait_dma2 semaphore(%run_scoped3A_296 : memref<!tpu.dma_semaphore, #tpu.memory_space<semaphore_mem>>) src(%dma_wait3A_324 : memref<32x1024xf32, #tpu.memory_space<hbm>>) dst(%dma_wait3A_321 : memref<32x1024xf32, #tpu.memory_space<vmem>>)
      tpu.yield
    }) : () -> ()
    %dma_start3A_218 = arith.constant 0 : i32
    %dma_start3A_219 = arith.constant 0 : i32
    %dma_start3A_220 = arith.constant 0 : i32
    %dma_start3A_221 = tpu.memref_slice %arg4[%dma_start3A_218, %dma_start3A_219, %dma_start3A_220] : memref<2x32x1024xf32, #tpu.memory_space<vmem>> -> memref<1x32x1024xf32, #tpu.memory_space<vmem>>
    %dma_start3A_222 = tpu.memref_squeeze %dma_start3A_221 : memref<1x32x1024xf32, #tpu.memory_space<vmem>> -> memref<32x1024xf32, #tpu.memory_space<vmem>>
    %dma_start3A_223 = arith.constant 0 : i32
    %dma_start3A_224 = tpu.memref_slice %arg3[%add3A_18, %add3A_216, %dma_start3A_223] : memref<8x2048x1024xf32, #tpu.memory_space<hbm>> -> memref<1x32x1024xf32, #tpu.memory_space<hbm>>
    %dma_start3A_225 = tpu.memref_squeeze %dma_start3A_224 : memref<1x32x1024xf32, #tpu.memory_space<hbm>> -> memref<32x1024xf32, #tpu.memory_space<hbm>>
    %dma_start3A_226 = arith.constant 0 : i32
    %dma_start3A_227 = tpu.memref_slice %arg3[%add3A_18, %add3A_216, %dma_start3A_226] : memref<8x2048x1024xf32, #tpu.memory_space<hbm>> -> memref<1x32x1024xf32, #tpu.memory_space<hbm>>
    %dma_start3A_228 = tpu.memref_squeeze %dma_start3A_227 : memref<1x32x1024xf32, #tpu.memory_space<hbm>> -> memref<32x1024xf32, #tpu.memory_space<hbm>>
    %dma_start3A_229 = arith.constant 0 : i32
    %dma_start3A_230 = arith.constant 0 : i32
    %dma_start3A_231 = tpu.memref_slice %arg4[%dma_start3A_218, %dma_start3A_229, %dma_start3A_230] : memref<2x32x1024xf32, #tpu.memory_space<vmem>> -> memref<1x32x1024xf32, #tpu.memory_space<vmem>>
    %dma_start3A_232 = tpu.memref_squeeze %dma_start3A_231 : memref<1x32x1024xf32, #tpu.memory_space<vmem>> -> memref<32x1024xf32, #tpu.memory_space<vmem>>
    tpu.enqueue_dma source(%dma_start3A_232 : memref<32x1024xf32, #tpu.memory_space<vmem>>) target(%dma_start3A_228 : memref<32x1024xf32, #tpu.memory_space<hbm>>) target_semaphore(%arg5 : memref<!tpu.dma_semaphore, #tpu.memory_space<semaphore_mem>>)
    %dma_wait3A_233 = arith.constant 1 : i32
    %dma_wait3A_234 = arith.constant 0 : i32
    %dma_wait3A_235 = arith.constant 0 : i32
    %dma_wait3A_236 = tpu.memref_slice %arg4[%dma_wait3A_233, %dma_wait3A_234, %dma_wait3A_235] : memref<2x32x1024xf32, #tpu.memory_space<vmem>> -> memref<1x32x1024xf32, #tpu.memory_space<vmem>>
    %dma_wait3A_237 = tpu.memref_squeeze %dma_wait3A_236 : memref<1x32x1024xf32, #tpu.memory_space<vmem>> -> memref<32x1024xf32, #tpu.memory_space<vmem>>
    %dma_wait3A_238 = arith.constant 0 : i32
    %dma_wait3A_239 = tpu.memref_slice %arg3[%add3A_18, %add3A_183, %dma_wait3A_238] : memref<8x2048x1024xf32, #tpu.memory_space<hbm>> -> memref<1x32x1024xf32, #tpu.memory_space<hbm>>
    %dma_wait3A_240 = tpu.memref_squeeze %dma_wait3A_239 : memref<1x32x1024xf32, #tpu.memory_space<hbm>> -> memref<32x1024xf32, #tpu.memory_space<hbm>>
    %dma_wait3A_241 = arith.constant 0 : i32
    %dma_wait3A_242 = tpu.memref_slice %arg3[%add3A_18, %add3A_183, %dma_wait3A_241] : memref<8x2048x1024xf32, #tpu.memory_space<hbm>> -> memref<1x32x1024xf32, #tpu.memory_space<hbm>>
    %dma_wait3A_243 = tpu.memref_squeeze %dma_wait3A_242 : memref<1x32x1024xf32, #tpu.memory_space<hbm>> -> memref<32x1024xf32, #tpu.memory_space<hbm>>
    %dma_wait3A_244 = arith.constant 0 : i32
    %dma_wait3A_245 = arith.constant 0 : i32
    %dma_wait3A_246 = tpu.memref_slice %arg4[%dma_wait3A_233, %dma_wait3A_244, %dma_wait3A_245] : memref<2x32x1024xf32, #tpu.memory_space<vmem>> -> memref<1x32x1024xf32, #tpu.memory_space<vmem>>
    %dma_wait3A_247 = tpu.memref_squeeze %dma_wait3A_246 : memref<1x32x1024xf32, #tpu.memory_space<vmem>> -> memref<32x1024xf32, #tpu.memory_space<vmem>>
    tpu.wait_dma2 semaphore(%arg6 : memref<!tpu.dma_semaphore, #tpu.memory_space<semaphore_mem>>) src(%dma_wait3A_247 : memref<32x1024xf32, #tpu.memory_space<vmem>>) dst(%dma_wait3A_243 : memref<32x1024xf32, #tpu.memory_space<hbm>>)
    %add3A_248 = arith.constant 224 : i32
    %add3A_249 = arith.addi %mul3A_34, %add3A_248 : i32
    %run_scoped3A_250 = arith.constant 1 : i32
    "tpu.region"() ({
      %run_scoped3A_296 = tpu.sem_alloc : memref<!tpu.dma_semaphore, #tpu.memory_space<semaphore_mem>>
      %dma_start3A_297 = arith.constant 0 : i32
      %dma_start3A_298 = arith.constant 0 : i32
      %dma_start3A_299 = tpu.memref_slice %arg4[%run_scoped3A_250, %dma_start3A_297, %dma_start3A_298] : memref<2x32x1024xf32, #tpu.memory_space<vmem>> -> memref<1x32x1024xf32, #tpu.memory_space<vmem>>
      %dma_start3A_300 = tpu.memref_squeeze %dma_start3A_299 : memref<1x32x1024xf32, #tpu.memory_space<vmem>> -> memref<32x1024xf32, #tpu.memory_space<vmem>>
      %dma_start3A_301 = arith.constant 0 : i32
      %dma_start3A_302 = tpu.memref_slice %arg2[%add3A_18, %add3A_249, %dma_start3A_301] : memref<8x2048x1024xf32, #tpu.memory_space<hbm>> -> memref<1x32x1024xf32, #tpu.memory_space<hbm>>
      %dma_start3A_303 = tpu.memref_squeeze %dma_start3A_302 : memref<1x32x1024xf32, #tpu.memory_space<hbm>> -> memref<32x1024xf32, #tpu.memory_space<hbm>>
      %dma_start3A_304 = arith.constant 0 : i32
      %dma_start3A_305 = arith.constant 0 : i32
      %dma_start3A_306 = tpu.memref_slice %arg4[%run_scoped3A_250, %dma_start3A_304, %dma_start3A_305] : memref<2x32x1024xf32, #tpu.memory_space<vmem>> -> memref<1x32x1024xf32, #tpu.memory_space<vmem>>
      %dma_start3A_307 = tpu.memref_squeeze %dma_start3A_306 : memref<1x32x1024xf32, #tpu.memory_space<vmem>> -> memref<32x1024xf32, #tpu.memory_space<vmem>>
      %dma_start3A_308 = arith.constant 0 : i32
      %dma_start3A_309 = tpu.memref_slice %arg2[%add3A_18, %add3A_249, %dma_start3A_308] : memref<8x2048x1024xf32, #tpu.memory_space<hbm>> -> memref<1x32x1024xf32, #tpu.memory_space<hbm>>
      %dma_start3A_310 = tpu.memref_squeeze %dma_start3A_309 : memref<1x32x1024xf32, #tpu.memory_space<hbm>> -> memref<32x1024xf32, #tpu.memory_space<hbm>>
      tpu.enqueue_dma source(%dma_start3A_310 : memref<32x1024xf32, #tpu.memory_space<hbm>>) target(%dma_start3A_307 : memref<32x1024xf32, #tpu.memory_space<vmem>>) target_semaphore(%run_scoped3A_296 : memref<!tpu.dma_semaphore, #tpu.memory_space<semaphore_mem>>)
      %dma_wait3A_311 = arith.constant 0 : i32
      %dma_wait3A_312 = arith.constant 0 : i32
      %dma_wait3A_313 = tpu.memref_slice %arg4[%run_scoped3A_250, %dma_wait3A_311, %dma_wait3A_312] : memref<2x32x1024xf32, #tpu.memory_space<vmem>> -> memref<1x32x1024xf32, #tpu.memory_space<vmem>>
      %dma_wait3A_314 = tpu.memref_squeeze %dma_wait3A_313 : memref<1x32x1024xf32, #tpu.memory_space<vmem>> -> memref<32x1024xf32, #tpu.memory_space<vmem>>
      %dma_wait3A_315 = arith.constant 0 : i32
      %dma_wait3A_316 = tpu.memref_slice %arg2[%add3A_18, %add3A_249, %dma_wait3A_315] : memref<8x2048x1024xf32, #tpu.memory_space<hbm>> -> memref<1x32x1024xf32, #tpu.memory_space<hbm>>
      %dma_wait3A_317 = tpu.memref_squeeze %dma_wait3A_316 : memref<1x32x1024xf32, #tpu.memory_space<hbm>> -> memref<32x1024xf32, #tpu.memory_space<hbm>>
      %dma_wait3A_318 = arith.constant 0 : i32
      %dma_wait3A_319 = arith.constant 0 : i32
      %dma_wait3A_320 = tpu.memref_slice %arg4[%run_scoped3A_250, %dma_wait3A_318, %dma_wait3A_319] : memref<2x32x1024xf32, #tpu.memory_space<vmem>> -> memref<1x32x1024xf32, #tpu.memory_space<vmem>>
      %dma_wait3A_321 = tpu.memref_squeeze %dma_wait3A_320 : memref<1x32x1024xf32, #tpu.memory_space<vmem>> -> memref<32x1024xf32, #tpu.memory_space<vmem>>
      %dma_wait3A_322 = arith.constant 0 : i32
      %dma_wait3A_323 = tpu.memref_slice %arg2[%add3A_18, %add3A_249, %dma_wait3A_322] : memref<8x2048x1024xf32, #tpu.memory_space<hbm>> -> memref<1x32x1024xf32, #tpu.memory_space<hbm>>
      %dma_wait3A_324 = tpu.memref_squeeze %dma_wait3A_323 : memref<1x32x1024xf32, #tpu.memory_space<hbm>> -> memref<32x1024xf32, #tpu.memory_space<hbm>>
      tpu.wait_dma2 semaphore(%run_scoped3A_296 : memref<!tpu.dma_semaphore, #tpu.memory_space<semaphore_mem>>) src(%dma_wait3A_324 : memref<32x1024xf32, #tpu.memory_space<hbm>>) dst(%dma_wait3A_321 : memref<32x1024xf32, #tpu.memory_space<vmem>>)
      tpu.yield
    }) : () -> ()
    %dma_start3A_251 = arith.constant 1 : i32
    %dma_start3A_252 = arith.constant 0 : i32
    %dma_start3A_253 = arith.constant 0 : i32
    %dma_start3A_254 = tpu.memref_slice %arg4[%dma_start3A_251, %dma_start3A_252, %dma_start3A_253] : memref<2x32x1024xf32, #tpu.memory_space<vmem>> -> memref<1x32x1024xf32, #tpu.memory_space<vmem>>
    %dma_start3A_255 = tpu.memref_squeeze %dma_start3A_254 : memref<1x32x1024xf32, #tpu.memory_space<vmem>> -> memref<32x1024xf32, #tpu.memory_space<vmem>>
    %dma_start3A_256 = arith.constant 0 : i32
    %dma_start3A_257 = tpu.memref_slice %arg3[%add3A_18, %add3A_249, %dma_start3A_256] : memref<8x2048x1024xf32, #tpu.memory_space<hbm>> -> memref<1x32x1024xf32, #tpu.memory_space<hbm>>
    %dma_start3A_258 = tpu.memref_squeeze %dma_start3A_257 : memref<1x32x1024xf32, #tpu.memory_space<hbm>> -> memref<32x1024xf32, #tpu.memory_space<hbm>>
    %dma_start3A_259 = arith.constant 0 : i32
    %dma_start3A_260 = tpu.memref_slice %arg3[%add3A_18, %add3A_249, %dma_start3A_259] : memref<8x2048x1024xf32, #tpu.memory_space<hbm>> -> memref<1x32x1024xf32, #tpu.memory_space<hbm>>
    %dma_start3A_261 = tpu.memref_squeeze %dma_start3A_260 : memref<1x32x1024xf32, #tpu.memory_space<hbm>> -> memref<32x1024xf32, #tpu.memory_space<hbm>>
    %dma_start3A_262 = arith.constant 0 : i32
    %dma_start3A_263 = arith.constant 0 : i32
    %dma_start3A_264 = tpu.memref_slice %arg4[%dma_start3A_251, %dma_start3A_262, %dma_start3A_263] : memref<2x32x1024xf32, #tpu.memory_space<vmem>> -> memref<1x32x1024xf32, #tpu.memory_space<vmem>>
    %dma_start3A_265 = tpu.memref_squeeze %dma_start3A_264 : memref<1x32x1024xf32, #tpu.memory_space<vmem>> -> memref<32x1024xf32, #tpu.memory_space<vmem>>
    tpu.enqueue_dma source(%dma_start3A_265 : memref<32x1024xf32, #tpu.memory_space<vmem>>) target(%dma_start3A_261 : memref<32x1024xf32, #tpu.memory_space<hbm>>) target_semaphore(%arg6 : memref<!tpu.dma_semaphore, #tpu.memory_space<semaphore_mem>>)
    %dma_wait3A_266 = arith.constant 0 : i32
    %dma_wait3A_267 = arith.constant 0 : i32
    %dma_wait3A_268 = arith.constant 0 : i32
    %dma_wait3A_269 = tpu.memref_slice %arg4[%dma_wait3A_266, %dma_wait3A_267, %dma_wait3A_268] : memref<2x32x1024xf32, #tpu.memory_space<vmem>> -> memref<1x32x1024xf32, #tpu.memory_space<vmem>>
    %dma_wait3A_270 = tpu.memref_squeeze %dma_wait3A_269 : memref<1x32x1024xf32, #tpu.memory_space<vmem>> -> memref<32x1024xf32, #tpu.memory_space<vmem>>
    %dma_wait3A_271 = arith.constant 0 : i32
    %dma_wait3A_272 = tpu.memref_slice %arg3[%add3A_18, %add3A_216, %dma_wait3A_271] : memref<8x2048x1024xf32, #tpu.memory_space<hbm>> -> memref<1x32x1024xf32, #tpu.memory_space<hbm>>
    %dma_wait3A_273 = tpu.memref_squeeze %dma_wait3A_272 : memref<1x32x1024xf32, #tpu.memory_space<hbm>> -> memref<32x1024xf32, #tpu.memory_space<hbm>>
    %dma_wait3A_274 = arith.constant 0 : i32
    %dma_wait3A_275 = tpu.memref_slice %arg3[%add3A_18, %add3A_216, %dma_wait3A_274] : memref<8x2048x1024xf32, #tpu.memory_space<hbm>> -> memref<1x32x1024xf32, #tpu.memory_space<hbm>>
    %dma_wait3A_276 = tpu.memref_squeeze %dma_wait3A_275 : memref<1x32x1024xf32, #tpu.memory_space<hbm>> -> memref<32x1024xf32, #tpu.memory_space<hbm>>
    %dma_wait3A_277 = arith.constant 0 : i32
    %dma_wait3A_278 = arith.constant 0 : i32
    %dma_wait3A_279 = tpu.memref_slice %arg4[%dma_wait3A_266, %dma_wait3A_277, %dma_wait3A_278] : memref<2x32x1024xf32, #tpu.memory_space<vmem>> -> memref<1x32x1024xf32, #tpu.memory_space<vmem>>
    %dma_wait3A_280 = tpu.memref_squeeze %dma_wait3A_279 : memref<1x32x1024xf32, #tpu.memory_space<vmem>> -> memref<32x1024xf32, #tpu.memory_space<vmem>>
    tpu.wait_dma2 semaphore(%arg5 : memref<!tpu.dma_semaphore, #tpu.memory_space<semaphore_mem>>) src(%dma_wait3A_280 : memref<32x1024xf32, #tpu.memory_space<vmem>>) dst(%dma_wait3A_276 : memref<32x1024xf32, #tpu.memory_space<hbm>>)
    %dma_wait3A_281 = arith.constant 1 : i32
    %dma_wait3A_282 = arith.constant 0 : i32
    %dma_wait3A_283 = arith.constant 0 : i32
    %dma_wait3A_284 = tpu.memref_slice %arg4[%dma_wait3A_281, %dma_wait3A_282, %dma_wait3A_283] : memref<2x32x1024xf32, #tpu.memory_space<vmem>> -> memref<1x32x1024xf32, #tpu.memory_space<vmem>>
    %dma_wait3A_285 = tpu.memref_squeeze %dma_wait3A_284 : memref<1x32x1024xf32, #tpu.memory_space<vmem>> -> memref<32x1024xf32, #tpu.memory_space<vmem>>
    %dma_wait3A_286 = arith.constant 0 : i32
    %dma_wait3A_287 = tpu.memref_slice %arg3[%add3A_18, %add3A_249, %dma_wait3A_286] : memref<8x2048x1024xf32, #tpu.memory_space<hbm>> -> memref<1x32x1024xf32, #tpu.memory_space<hbm>>
    %dma_wait3A_288 = tpu.memref_squeeze %dma_wait3A_287 : memref<1x32x1024xf32, #tpu.memory_space<hbm>> -> memref<32x1024xf32, #tpu.memory_space<hbm>>
    %dma_wait3A_289 = arith.constant 0 : i32
    %dma_wait3A_290 = tpu.memref_slice %arg3[%add3A_18, %add3A_249, %dma_wait3A_289] : memref<8x2048x1024xf32, #tpu.memory_space<hbm>> -> memref<1x32x1024xf32, #tpu.memory_space<hbm>>
    %dma_wait3A_291 = tpu.memref_squeeze %dma_wait3A_290 : memref<1x32x1024xf32, #tpu.memory_space<hbm>> -> memref<32x1024xf32, #tpu.memory_space<hbm>>
    %dma_wait3A_292 = arith.constant 0 : i32
    %dma_wait3A_293 = arith.constant 0 : i32
    %dma_wait3A_294 = tpu.memref_slice %arg4[%dma_wait3A_281, %dma_wait3A_292, %dma_wait3A_293] : memref<2x32x1024xf32, #tpu.memory_space<vmem>> -> memref<1x32x1024xf32, #tpu.memory_space<vmem>>
    %dma_wait3A_295 = tpu.memref_squeeze %dma_wait3A_294 : memref<1x32x1024xf32, #tpu.memory_space<vmem>> -> memref<32x1024xf32, #tpu.memory_space<vmem>>
    tpu.wait_dma2 semaphore(%arg6 : memref<!tpu.dma_semaphore, #tpu.memory_space<semaphore_mem>>) src(%dma_wait3A_295 : memref<32x1024xf32, #tpu.memory_space<vmem>>) dst(%dma_wait3A_291 : memref<32x1024xf32, #tpu.memory_space<hbm>>)
    return
  }
}

module attributes {stable_mosaic.version = 14 : i64} {
  func.func @_tc_copy(%arg0: i32, %arg1: memref<1x2048x1024xf32, #tpu.memory_space<vmem>>, %arg2: memref<1x2048x1024xf32, #tpu.memory_space<vmem>>) attributes {dimension_semantics = [#tpu.dimension_semantics<parallel>], iteration_bounds = array<i64: 4>, scalar_prefetch = 0 : i64, scratch_operands = 0 : i64, tpu.core_type = #tpu.core_type<tc>, window_params = [{transform_indices = @transform_0, window_bounds = array<i64: 1, 2048, 1024>}, {transform_indices = @transform_1, window_bounds = array<i64: 1, 2048, 1024>}]} {
    %get3A = arith.constant 0 : index
    %get3A_0 = arith.constant 0 : index
    %get3A_1 = arith.constant 0 : index
    %get3A_2 = vector.load %arg1[%get3A, %get3A_0, %get3A_1] : memref<1x2048x1024xf32, #tpu.memory_space<vmem>>, vector<1x2048x1024xf32>
    %get3A_3 = vector.shape_cast %get3A_2 : vector<1x2048x1024xf32> to vector<2048x1024xf32>
    %swap3A = arith.constant 0 : index
    %swap3A_4 = arith.constant 0 : index
    %swap3A_5 = arith.constant 0 : index
    %swap3A_6 = vector.load %arg2[%swap3A, %swap3A_4, %swap3A_5] : memref<1x2048x1024xf32, #tpu.memory_space<vmem>>, vector<1x2048x1024xf32>
    %swap3A_7 = vector.shape_cast %swap3A_6 : vector<1x2048x1024xf32> to vector<2048x1024xf32>
    %swap3A_8 = vector.shape_cast %get3A_3 : vector<2048x1024xf32> to vector<1x2048x1024xf32>
    tpu.vector_store %arg2[%swap3A, %swap3A_4, %swap3A_5], %swap3A_8 {strides = array<i32>} : memref<1x2048x1024xf32, #tpu.memory_space<vmem>>, vector<1x2048x1024xf32>,
    return
  }
  func.func @transform_0(%arg0: i32) -> (i32, i32, i32) {
    %c0_i32 = arith.constant 0 : i32
    %c0_i32_0 = arith.constant 0 : i32
    %c0_i32_1 = arith.constant 0 : i32
    return %arg0, %c0_i32, %c0_i32_0 : i32, i32, i32
  }
  func.func @transform_1(%arg0: i32) -> (i32, i32, i32) {
    %c0_i32 = arith.constant 0 : i32
    %c0_i32_0 = arith.constant 0 : i32
    %c0_i32_1 = arith.constant 0 : i32
    return %arg0, %c0_i32, %c0_i32_0 : i32, i32, i32
  }
}

</mosaic_0001>

<sc_bundles>
// kernel: kernel.4.cloned.1.call-start
scs
__scs_entry_jumppad:
0x0: {  	(pc) =	sbr.rel $0x88, $3  }
0x1: {  	(tag) =	ssettag $0x0;
	lr =	simm.s32 $0x1  }
0x2: {  	[smem:$0x3FA0] =	sst lr;
	_ =	strace $0xD0000000  }
0x3: {  	_ = 	snop  }
0x4: {  	_ = 	snop  }
0x5: {  	_ = 	snop  }
0x6: {  	_ = 	snop  }
0x7: {  	_ = 	snop  }
__scs_overlays_trampoline_lowered:
0x8: {  	[smem:$0x3FAF] =	sst s0  }
0x9: {  	[smem:$0x3FB0] =	sst s1  }
0xa: {  	[smem:$0x3FB1] =	sst s2  }
0xb: {  	[smem:$0x3FB2] =	sst s3  }
0xc: {  	[smem:$0x3FB3] =	sst s4  }
0xd: {  	[smem:$0x3FB4] =	sst s5  }
0xe: {  	[smem:$0x3FB5] =	sst s6  }
0xf: {  	[smem:$0x3FB6] =	sst s7  }
0x10: {  	[smem:$0x3FB7] =	sst s8  }
0x11: {  	[smem:$0x3FB8] =	sst s9;
	s0 =	simm.s32 @!p0 $0x0  }
0x12: {  	s1 =	sld [smem:$0x3F9E];
	s0 =	simm.s32 @p0 $0x1  }
0x13: {  	[smem:$0x3FB9] =	sst s0;
	s0 =	simm.s32 @!p1 $0x0  }
0x14: {  	s2 =	sld [smem:$0x3F9D];
	s0 =	simm.s32 @p1 $0x1  }
0x15: {  	[smem:$0x3FBA] =	sst s0;
	s0 =	simm.s32 @!p2 $0x0  }
0x16: {  	s3 =	sld [smem:$0x3FDB];
	s0 =	simm.s32 @p2 $0x1  }
0x17: {  	s4 =	simm.s32 $0x1BF5;
	[smem:$0x3FBC] =	sst s0  }
0x18: {  	s0 =	sld [smem:$0x3F9F];
	_ =	swait.ge [sflag:s4], $0x0  }
0x19: {  	s7 =	sld [smem:$0x3FA0]  }
0x1a: {  	s8 =	sadd.s32 $0xFFFFE003, lr  }
0x1b: {  	s9 =	sadd.s32 $0xFFFFFEF7, lr;
	s5 =	simm.s32 $0xFFFFFFFF;
	p2 =	slt.u32 s8, $0xFFFFF086  }
0x1c: {  	p1 =	slt.u32 s9, $0xF7A;
	s5 =	simm.s32 @!p2 $0x0  }
0x1d: {  	s5 =	simm.s32 @p1 $0x1;
	p0 =	seq.s32 s7, s2  }
0x1e: {  	s7 =	smul.u32 @!p0 $0xF7A, s2;
	p2 =	seq.s32 @!p0 s5, $0x0  }
0x1f: {  	s9 =	smul.u32 $0xF7A, s1;
	s8 =	simm.s32 @!p0 $0x1BF5;
	p2 =	por !p2, p0  }
0x20: {  	[sflag:s8] =	ssyncset.s32 @!p0 $0xFFFFF086;
	s6 =	sadd.s32 @!p0 s3, s7;
	s7 =	simm.s32 @!p0 $0x108  }
0x21: {  	s3 =	sadd.s32 s3, s9;
	s6 =	sadd.s32 @!p0 $0x88, s6;
	s7 =	simm.s32 @p2 $0x1082  }
0x22: {  	[simem:s7], [sflag:s8] =	dma.local @!p0 [hbm:s6], $0xF7A  }
0x23: {  	s9 =	sor.u32 $0xD0000000, s2;
	s6 =	simm.s32 $0x108;
	_ =	swait.ge @!p0 [sflag:s8], $0x0  }
0x24: {  	s3 =	sadd.s32 $0x88, s3;
	s6 =	simm.s32 @!p1 $0x1082;
	[sflag:s4] =	ssyncset.s32 $0xFFFFF086  }
0x25: {  	[simem:s6], [sflag:s4] =	dma.local [hbm:s3], $0xF7A  }
0x26: {  	[smem:$0x3FA0] =	sst s1;
	(tag) =	ssettag s2;
	_ =	strace s9  }
0x27: {  	s1 =	sld [smem:$0x3FB0]  }
0x28: {  	s2 =	sld [smem:$0x3FB1]  }
0x29: {  	s4 =	sld [smem:$0x3FB3]  }
0x2a: {  	p0 =	seq.s32 s5, $0x0;
	s5 =	sld [smem:$0x3FB4]  }
0x2b: {  	s6 =	sld [smem:$0x3FB5]  }
0x2c: {  	s7 =	sld [smem:$0x3FB6]  }
0x2d: {  	s3 =	simm.s32 $0x108;
	s8 =	sld [smem:$0x3FB7]  }
0x2e: {  	s3 =	simm.s32 @!p0 $0x1082;
	s9 =	sld [smem:$0x3FB8]  }
0x2f: {  	lr =	sadd.s32 s0, s3;
	s0 =	sld [smem:$0x3FAF]  }
0x30: {  	s3 =	sld [smem:$0x3FB2]  }
0x31: {  	[smem:$0x3FBB] =	sst s10  }
0x32: {  	s10 =	sld [smem:$0x3FB9];
	_ =	sdelay $0x3  }
0x33: {  	p0 =	seq.s32 s10, $0x1;
	s10 =	sld [smem:$0x3FBB];
	_ =	sdelay $0x3  }
0x34: {  	[smem:$0x3FBB] =	sst s10  }
0x35: {  	s10 =	sld [smem:$0x3FBA];
	_ =	sdelay $0x3  }
0x36: {  	p1 =	seq.s32 s10, $0x1;
	s10 =	sld [smem:$0x3FBB];
	_ =	sdelay $0x3  }
0x37: {  	[smem:$0x3FBB] =	sst s10  }
0x38: {  	s10 =	sld [smem:$0x3FBC]  }
0x39: {  	_ = 	snop;
	(pc) =	sbr.ind lr, $3  }
0x3a: {  	_ = 	snop  }
0x3b: {  	_ = 	snop  }
0x3c: {  	p2 =	seq.s32 s10, $0x1;
	s10 =	sld [smem:$0x3FBB]  }
0x3d: {  	_ =	shalt  }
0x3e: {  	_ =	shalt  }
0x3f: {  	_ =	shalt  }
0x40: {  	_ =	shalt  }
0x41: {  	_ =	shalt  }
0x42: {  	_ =	shalt  }
0x43: {  	_ =	shalt  }
0x44: {  	_ =	shalt  }
0x45: {  	_ =	shalt  }
0x46: {  	_ =	shalt  }
0x47: {  	_ =	shalt  }
0x48: {  	_ =	shalt  }
0x49: {  	_ =	shalt  }
0x4a: {  	_ =	shalt  }
0x4b: {  	_ =	shalt  }
0x4c: {  	_ =	shalt  }
0x4d: {  	_ =	shalt  }
0x4e: {  	_ =	shalt  }
0x4f: {  	_ =	shalt  }
0x50: {  	_ =	shalt  }
0x51: {  	_ =	shalt  }
0x52: {  	_ =	shalt  }
0x53: {  	_ =	shalt  }
0x54: {  	_ =	shalt  }
0x55: {  	_ =	shalt  }
0x56: {  	_ =	shalt  }
0x57: {  	_ =	shalt  }
0x58: {  	_ =	shalt  }
0x59: {  	_ =	shalt  }
0x5a: {  	_ =	shalt  }
0x5b: {  	_ =	shalt  }
0x5c: {  	_ =	shalt  }
0x5d: {  	_ =	shalt  }
0x5e: {  	_ =	shalt  }
0x5f: {  	_ =	shalt  }
0x60: {  	_ =	shalt  }
0x61: {  	_ =	shalt  }
0x62: {  	_ =	shalt  }
0x63: {  	_ =	shalt  }
0x64: {  	_ =	shalt  }
0x65: {  	_ =	shalt  }
0x66: {  	_ =	shalt  }
0x67: {  	_ =	shalt  }
0x68: {  	_ =	shalt  }
0x69: {  	_ =	shalt  }
0x6a: {  	_ =	shalt  }
0x6b: {  	_ =	shalt  }
0x6c: {  	_ =	shalt  }
0x6d: {  	_ =	shalt  }
0x6e: {  	_ =	shalt  }
0x6f: {  	_ =	shalt  }
0x70: {  	_ =	shalt  }
0x71: {  	_ =	shalt  }
0x72: {  	_ =	shalt  }
0x73: {  	_ =	shalt  }
0x74: {  	_ =	shalt  }
0x75: {  	_ =	shalt  }
0x76: {  	_ =	shalt  }
0x77: {  	_ =	shalt  }
0x78: {  	_ =	shalt  }
0x79: {  	_ =	shalt  }
0x7a: {  	_ =	shalt  }
0x7b: {  	_ =	shalt  }
0x7c: {  	_ =	shalt  }
0x7d: {  	_ =	shalt  }
0x7e: {  	_ =	shalt  }
0x7f: {  	_ =	shalt  }
0x80: {  	_ =	shalt  }
0x81: {  	_ =	shalt  }
0x82: {  	_ =	shalt  }
0x83: {  	_ =	shalt  }
0x84: {  	_ =	shalt  }
0x85: {  	_ =	shalt  }
0x86: {  	_ =	shalt  }
0x87: {  	_ =	shalt  }
.Lfunc_end0:
.L_simem_size_0:
called_computation_lowered:
.L_overlay_start_0:
0x88: {  	s2 =	sld [smem:$0x3FD9]  }
0x89: {  	s3 =	sld [smem:$0x3FFE];
	_ =	sdelay $0x1  }
0x8a: {  	s1 =	srdreg.scid  }
0x8b: {  	s0 =	sand.u32 $0x1, s1  }
0x8c: {  	s15 =	sshll.u32 s0, $0xA;
	s2 =	sadd.s32 s3, s2  }
0x8d: {  	s2 =	sadd.s32 s2, s15  }
0x8e: {  	[smem:$0x3FC7] =	sst s2  }
0x8f: {  	_ = 	snop  }
0x90: {  	s2 =	sld [smem:$0x3FD0];
	_ =	sdelay $0x2  }
0x91: {  	s4 =	simm.s32 $0xA;
	s5 =	simm.s32 $0x10;
	s16 =	sld [smem:$0x3FC9]  }
0x92: {  	[smem:s5], [sflag:s4] =	dma.local [hbm:s2], $0x1  }
0x93: {  	_ =	swait.eq [sflag:s4], $0x1  }
0x94: {  	[sflag:s4] =	ssyncset.done $0x0  }
0x95: {  	[sflag:s4] =	ssyncadd.s32 $0xFFFFFFFF  }
0x96: {  	s17 =	sld [smem:$0x11];
	(tm) =	ssettm $0x1  }
0x97: {  	s18 =	sld [smem:$0x3FFB];
	_ =	sdelay $0x3  }
0x98: {  	_ =	strace s18  }
0x99: {  	s4 =	sld [smem:$0x3FFC];
	_ =	sdelay $0x3  }
0x9a: {  	_ =	strace s4  }
0x9b: {  	s4 =	sld [smem:$0x3FFD];
	_ =	sdelay $0x3  }
0x9c: {  	_ =	strace s4  }
0x9d: {  	_ =	strace $0x8FFFFFFF  }
0x9e: {  	s19 =	sld [smem:$0x3FDB];
	_ =	sdelay $0x1  }
0x9f: {  	s20 =	simm.s32 $_scs_section_size  }
0xa0: {  	s6 =	simm.s32 $_size__tile_overlayer_lowered;
	s7 =	simm.s32 $_tile_overlayer_lowered  }
0xa1: {  	s23 =	simm.s32 $0x1BFF;
	s22 =	sshll.u32 s7, $0x1;
	s4 =	sadd.s32 s20, s19  }
0xa2: {  	s8 =	simm.s32 $0x0;
	s21 =	sshll.u32 s6, $0x1;
	s6 =	sadd.s32 s22, s4  }
0xa3: {  	[timem:s8], [sflag:s23] =	dma.local [hbm:s6], s21  }
0xa4: {  	_ =	swait.ge [sflag:s23], s21  }
0xa5: {  	s5 =	ssub.s32 $0x0, s21;
	[sflag:s23] =	ssyncset.done $0x0  }
0xa6: {  	[sflag:s23] =	ssyncadd.s32 s5;
	_ =	sdelay $0x1  }
0xa7: {  	s24 =	simm.s32 $0x1B8B  }
0xa8: {  	_ =	swait.ge [sflag:s24], $0x1  }
0xa9: {  	[sflag:s24] =	ssyncset.done $0x0  }
0xaa: {  	s25 =	simm.s32 $0x1B8E;
	[sflag:s24] =	ssyncadd.s32 $0xFFFFFFFF  }
0xab: {  	s26 =	simm.s32 $execute0_lowered;
	[smem:$0x3FD2] =	sst s25  }
0xac: {  	s5 =	sshll.u32 s26, $0x1;
	_ =	strace $0x80000046;
	[dreg:$0x1] =	wrdreg $0xFFFFFFFF  }
0xad: {  	s28 =	simm.s32 $_size_execute0_lowered;
	s4 =	sadd.s32 s4, s5;
	[dreg:$0x0] =	wrdreg $0x0  }
0xae: {  	s5 =	sshll.u32 s28, $0x1;
	[dreg:$0x2] =	wrdreg s4  }
0xaf: {  	[dreg:$0x3] =	wrdreg s5  }
0xb0: {  	[dreg:$0x4] =	wrdreg $0xC0  }
0xb1: {  	_ =	task [dreg:s8], $0x5FFFF  }
0xb2: {  	[dreg:$0x1] =	wrdreg $0xFFFFFFFF  }
0xb3: {  	[dreg:$0x0] =	wrdreg $0x60  }
0xb4: {  	[dreg:$0x2] =	wrdreg s16  }
0xb5: {  	[dreg:$0x3] =	wrdreg s17  }
0xb6: {  	[dreg:$0x4] =	wrdreg $0x9  }
0xb7: {  	_ =	task.clear_ibuf [dreg:s8], $0x5FFFF;
	_ =	strace $0x90000046  }
0xb8: {  	s29 =	simm.s32 $0x9;
	_ =	strace $0x80000048  }
0xb9: {  	_ =	swait.ge [sflag:s29], $0x1  }
0xba: {  	[sflag:s29] =	ssyncadd.s32 $0xFFFFFFFF  }
0xbb: {  	_ =	strace $0x90000048  }
0xbc: {  	_ =	sfence  }
0xbd: {  	s30 =	sld [smem:$0x0];
	_ =	sdelay $0x2  }
0xbe: {  	s31 =	sshll.u32 s1, $0xD;
	s1 =	sshrl.u32 s1, $0x2  }
0xbf: {  	s3 =	sand.u32 $0x4000, s31;
	s1 =	sadd.s32 s1, s30  }
0xc0: {  	s0 =	sor.u32 s3, s0;
	s1 =	sshll.u32 s1, $0x11  }
0xc1: {  	s0 =	sor.u32 s1, s0  }
0xc2: {  	s0 =	sadd.s32 $0x8F2B, s0  }
0xc3: {  	[sflag:s0] =	ssyncadd.remote.s32 $0x1  }
0xc4: {  	_ =	sfence.sel $0xFFFF  }
0xc5: {  	[dreg:$0x0] =	wrdreg $0xFFFFFFFF;
	(pc) =	sbr.abs _section_cstart, $3  }
0xc6: {  	[dreg:$0x1] =	wrdreg $0xFFFFFFFF  }
0xc7: {  	_ =	task.clear_ibuf [dreg:s8], $0x2FFFF;
	_ =	strace $0x9FFFFFFF  }
0xc8: {  	(tm) =	ssettm $0x7FFFFFFF  }
0xc9: {  	_ =	shalt  }
tec
execute0_lowered:
.L_overlay_start_1:
0x0: {  	(tag) =	ssettag $0x1  }
0x1: {  	s0 =	srdreg.scid  }
0x2: {  	s22 =	sand.u32 $0x1, s0  }
0x3: {  	s0 =	stileid.u32;
	s1 =	sshll.u32 s22, $0x4  }
0x4: {  	s2 =	sand.u32 $0x7, s0;
	s1 =	sor.u32 s0, s1  }
0x5: {  	p1 =	sne.s32 s2, $0x0;
	p0 =	seq.s32 s1, $0x0  }
0x6: {  	p0 =	por !p1, !p0  }
0x7: {  	s3 =	simm.s32 $0x1;
	p0 =	por !p0, !p0  }
0x8: {  	s1 =	sshrl.u32 s1, $0x3;
	s3 =	simm.s32 @!p0 $0x0  }
0x9: {  	s1 =	ssub.s32 s1, s3  }
0xa: {  	s2 =	sshll.u32 s2, $0x12;
	s1 =	sshll.u32 s1, $0x15  }
0xb: {  	s21 =	rddreg [dreg:$0x0];
	s30 =	sor.u32 s2, s1  }
0xc: {  	s23 =	rddreg [dreg:$0x1];
	s2 =	simm.s32 $0x0;
	s3 =	sadd.s32 $0x800000, s30  }
0xd: {  	s4 =	simm.s32 $0x3;
	[smem:$0x7FF] =	sst s2;
	s24 =	sshrl.u32 s3, $0x3  }
0xe: {  	s1 =	rddreg [dreg:$0x2];
	_ =	strace $0x80000047;
	s3 =	sadd.s32 s21, s24  }
0xf: {  	[tilespmem:s2], [sflag:$0x3] =	stream.linear.gather [hbm4b:s3+s2], $0x8000, $0x38;
	[tilespmem:$0x10000] =	vst v63  }
0x10: {  	_ =	swait.ge [sflag:s4], $0x8000  }
0x11: {  	[sflag:s4] =	ssyncset.done $0x0  }
0x12: {  	s5 =	sadd.s32 s23, s24;
	s9 =	sor.u32 $0x1000, s24;
	[sflag:s4] =	ssyncadd.s32 $0xFFFF8000  }
0x13: {  	[hbm4b:s5+s2] =	stream.linear.scatter [tilespmem:s2], [sflag:$0x1], $0x8000, $0x38;
	[tilespmem:$0x10000] =	vst v63  }
0x14: {  	s7 =	simm.s32 $0x8000;
	s6 =	sadd.s32 s21, s9  }
0x15: {  	[tilespmem:s7], [sflag:$0x3] =	stream.linear.gather [hbm4b:s6+s2], $0x8000, $0x38;
	[tilespmem:$0x10000] =	vst v63  }
0x16: {  	_ =	swait.ge [sflag:s4], $0x8000  }
0x17: {  	[sflag:s4] =	ssyncset.done $0x0  }
0x18: {  	s8 =	simm.s32 $0x1;
	s9 =	sadd.s32 s23, s9;
	[sflag:s4] =	ssyncadd.s32 $0xFFFF8000  }
0x19: {  	[hbm4b:s9+s2] =	stream.linear.scatter [tilespmem:s7], [sflag:$0x2], $0x8000, $0x38;
	[tilespmem:$0x10000] =	vst v63  }
0x1a: {  	_ =	swait.ge [sflag:s8], $0x8000  }
0x1b: {  	s11 =	sor.u32 $0x2000, s24;
	[sflag:s8] =	ssyncset.done $0x0  }
0x1c: {  	s10 =	sadd.s32 s21, s11;
	[sflag:s8] =	ssyncadd.s32 $0xFFFF8000  }
0x1d: {  	[tilespmem:s2], [sflag:$0x3] =	stream.linear.gather [hbm4b:s10+s2], $0x8000, $0x38;
	[tilespmem:$0x10000] =	vst v63  }
0x1e: {  	_ =	swait.ge [sflag:s4], $0x8000  }
0x1f: {  	[sflag:s4] =	ssyncset.done $0x0  }
0x20: {  	s12 =	sadd.s32 s23, s11;
	s11 =	simm.s32 $0x2;
	[sflag:s4] =	ssyncadd.s32 $0xFFFF8000  }
0x21: {  	[hbm4b:s12+s2] =	stream.linear.scatter [tilespmem:s2], [sflag:$0x1], $0x8000, $0x38;
	[tilespmem:$0x10000] =	vst v63  }
0x22: {  	_ =	swait.ge [sflag:s11], $0x8000  }
0x23: {  	s14 =	sor.u32 $0x3000, s24;
	[sflag:s11] =	ssyncset.done $0x0  }
0x24: {  	s13 =	sadd.s32 s21, s14;
	[sflag:s11] =	ssyncadd.s32 $0xFFFF8000  }
0x25: {  	[tilespmem:s7], [sflag:$0x3] =	stream.linear.gather [hbm4b:s13+s2], $0x8000, $0x38;
	[tilespmem:$0x10000] =	vst v63  }
0x26: {  	_ =	swait.ge [sflag:s4], $0x8000  }
0x27: {  	[sflag:s4] =	ssyncset.done $0x0  }
0x28: {  	s14 =	sadd.s32 s23, s14;
	[sflag:s4] =	ssyncadd.s32 $0xFFFF8000  }
0x29: {  	[hbm4b:s14+s2] =	stream.linear.scatter [tilespmem:s7], [sflag:$0x2], $0x8000, $0x38;
	[tilespmem:$0x10000] =	vst v63  }
0x2a: {  	_ =	swait.ge [sflag:s8], $0x8000  }
0x2b: {  	s16 =	sor.u32 $0x4000, s24;
	[sflag:s8] =	ssyncset.done $0x0  }
0x2c: {  	s15 =	sadd.s32 s21, s16;
	[sflag:s8] =	ssyncadd.s32 $0xFFFF8000  }
0x2d: {  	[tilespmem:s2], [sflag:$0x3] =	stream.linear.gather [hbm4b:s15+s2], $0x8000, $0x38;
	[tilespmem:$0x10000] =	vst v63  }
0x2e: {  	_ =	swait.ge [sflag:s4], $0x8000  }
0x2f: {  	[sflag:s4] =	ssyncset.done $0x0  }
0x30: {  	s16 =	sadd.s32 s23, s16;
	[sflag:s4] =	ssyncadd.s32 $0xFFFF8000  }
0x31: {  	[hbm4b:s16+s2] =	stream.linear.scatter [tilespmem:s2], [sflag:$0x1], $0x8000, $0x38;
	[tilespmem:$0x10000] =	vst v63  }
0x32: {  	_ =	swait.ge [sflag:s11], $0x8000  }
0x33: {  	s18 =	sor.u32 $0x5000, s24;
	[sflag:s11] =	ssyncset.done $0x0  }
0x34: {  	s17 =	sadd.s32 s21, s18;
	[sflag:s11] =	ssyncadd.s32 $0xFFFF8000  }
0x35: {  	[tilespmem:s7], [sflag:$0x3] =	stream.linear.gather [hbm4b:s17+s2], $0x8000, $0x38;
	[tilespmem:$0x10000] =	vst v63  }
0x36: {  	_ =	swait.ge [sflag:s4], $0x8000  }
0x37: {  	[sflag:s4] =	ssyncset.done $0x0  }
0x38: {  	s18 =	sadd.s32 s23, s18;
	[sflag:s4] =	ssyncadd.s32 $0xFFFF8000  }
0x39: {  	[hbm4b:s18+s2] =	stream.linear.scatter [tilespmem:s7], [sflag:$0x2], $0x8000, $0x38;
	[tilespmem:$0x10000] =	vst v63  }
0x3a: {  	_ =	swait.ge [sflag:s8], $0x8000  }
0x3b: {  	s20 =	sor.u32 $0x6000, s24;
	[sflag:s8] =	ssyncset.done $0x0  }
0x3c: {  	s19 =	sadd.s32 s21, s20;
	[sflag:s8] =	ssyncadd.s32 $0xFFFF8000  }
0x3d: {  	[tilespmem:s2], [sflag:$0x3] =	stream.linear.gather [hbm4b:s19+s2], $0x8000, $0x38;
	[tilespmem:$0x10000] =	vst v63  }
0x3e: {  	_ =	swait.ge [sflag:s4], $0x8000  }
0x3f: {  	[sflag:s4] =	ssyncset.done $0x0  }
0x40: {  	s20 =	sadd.s32 s23, s20;
	[sflag:s4] =	ssyncadd.s32 $0xFFFF8000  }
0x41: {  	[hbm4b:s20+s2] =	stream.linear.scatter [tilespmem:s2], [sflag:$0x1], $0x8000, $0x38;
	[tilespmem:$0x10000] =	vst v63  }
0x42: {  	_ =	swait.ge [sflag:s11], $0x8000  }
0x43: {  	s25 =	ssub.s32 $0x2, s22;
	s24 =	sor.u32 $0x7000, s24;
	[sflag:s11] =	ssyncset.done $0x0  }
0x44: {  	s31 =	sshrl.u32 s25, $0x1;
	s21 =	sadd.s32 s21, s24;
	[sflag:s11] =	ssyncadd.s32 $0xFFFF8000  }
0x45: {  	[tilespmem:s7], [sflag:$0x3] =	stream.linear.gather [hbm4b:s21+s2], $0x8000, $0x38;
	[tilespmem:$0x10000] =	vst v63  }
0x46: {  	s22 =	sadd.s32 s23, s24;
	s23 =	ssub.s32 s25, s31;
	_ =	swait.ge [sflag:s4], $0x8000  }
0x47: {  	s23 =	smax.u32 s23, $0x1;
	[sflag:s4] =	ssyncset.done $0x0  }
0x48: {  	p0 =	sne.s32 s23, $0x1;
	[sflag:s4] =	ssyncadd.s32 $0xFFFF8000  }
0x49: {  	[hbm4b:s22+s2] =	stream.linear.scatter [tilespmem:s7], [sflag:$0x2], $0x8000, $0x38;
	[tilespmem:$0x10000] =	vst v63  }
.Ltmp0:
0x4a: {  	_ =	swait.ge [sflag:s8], $0x8000;
	(pc) =	sbr.rel @!p0 .LBB2_2-.Ltmp0, $4  }
0x4b: {  	[sflag:s8] =	ssyncset.done $0x0  }
0x4c: {  	[sflag:s8] =	ssyncadd.s32 $0xFFFF8000  }
0x4d: {  	_ =	swait.ge [sflag:s11], $0x8000  }
0x4e: {  	s23 =	sadd.s32 $0xFFFFFFFF, s23;
	[sflag:s11] =	ssyncset.done $0x0  }
.LBB2_1:
0x4f: {  	p0 =	sne.s32 s23, $0x1;
	s23 =	sadd.s32 $0xFFFFFFFF, s23;
	[sflag:s11] =	ssyncadd.s32 $0xFFFF8000  }
0x50: {  	[tilespmem:s2], [sflag:$0x3] =	stream.linear.gather [hbm4b:s3+s2], $0x8000, $0x38;
	[tilespmem:$0x10000] =	vst v63  }
0x51: {  	_ =	swait.ge [sflag:s4], $0x8000  }
0x52: {  	[sflag:s4] =	ssyncset.done $0x0  }
0x53: {  	[sflag:s4] =	ssyncadd.s32 $0xFFFF8000  }
0x54: {  	[hbm4b:s5+s2] =	stream.linear.scatter [tilespmem:s2], [sflag:$0x1], $0x8000, $0x38;
	[tilespmem:$0x10000] =	vst v63  }
0x55: {  	_ = 	snop  }
0x56: {  	[tilespmem:s7], [sflag:$0x3] =	stream.linear.gather [hbm4b:s6+s2], $0x8000, $0x38;
	[tilespmem:$0x10000] =	vst v63  }
0x57: {  	_ =	swait.ge [sflag:s4], $0x8000  }
0x58: {  	[sflag:s4] =	ssyncset.done $0x0  }
0x59: {  	[sflag:s4] =	ssyncadd.s32 $0xFFFF8000  }
0x5a: {  	[hbm4b:s9+s2] =	stream.linear.scatter [tilespmem:s7], [sflag:$0x2], $0x8000, $0x38;
	[tilespmem:$0x10000] =	vst v63  }
0x5b: {  	_ =	swait.ge [sflag:s8], $0x8000  }
0x5c: {  	[sflag:s8] =	ssyncset.done $0x0  }
0x5d: {  	[sflag:s8] =	ssyncadd.s32 $0xFFFF8000  }
0x5e: {  	[tilespmem:s2], [sflag:$0x3] =	stream.linear.gather [hbm4b:s10+s2], $0x8000, $0x38;
	[tilespmem:$0x10000] =	vst v63  }
0x5f: {  	_ =	swait.ge [sflag:s4], $0x8000  }
0x60: {  	[sflag:s4] =	ssyncset.done $0x0  }
0x61: {  	[sflag:s4] =	ssyncadd.s32 $0xFFFF8000  }
0x62: {  	[hbm4b:s12+s2] =	stream.linear.scatter [tilespmem:s2], [sflag:$0x1], $0x8000, $0x38;
	[tilespmem:$0x10000] =	vst v63  }
0x63: {  	_ =	swait.ge [sflag:s11], $0x8000  }
0x64: {  	[sflag:s11] =	ssyncset.done $0x0  }
0x65: {  	[sflag:s11] =	ssyncadd.s32 $0xFFFF8000  }
0x66: {  	[tilespmem:s7], [sflag:$0x3] =	stream.linear.gather [hbm4b:s13+s2], $0x8000, $0x38;
	[tilespmem:$0x10000] =	vst v63  }
0x67: {  	_ =	swait.ge [sflag:s4], $0x8000  }
0x68: {  	[sflag:s4] =	ssyncset.done $0x0  }
0x69: {  	[sflag:s4] =	ssyncadd.s32 $0xFFFF8000  }
0x6a: {  	[hbm4b:s14+s2] =	stream.linear.scatter [tilespmem:s7], [sflag:$0x2], $0x8000, $0x38;
	[tilespmem:$0x10000] =	vst v63  }
0x6b: {  	_ =	swait.ge [sflag:s8], $0x8000  }
0x6c: {  	[sflag:s8] =	ssyncset.done $0x0  }
0x6d: {  	[sflag:s8] =	ssyncadd.s32 $0xFFFF8000  }
0x6e: {  	[tilespmem:s2], [sflag:$0x3] =	stream.linear.gather [hbm4b:s15+s2], $0x8000, $0x38;
	[tilespmem:$0x10000] =	vst v63  }
0x6f: {  	_ =	swait.ge [sflag:s4], $0x8000  }
0x70: {  	[sflag:s4] =	ssyncset.done $0x0  }
0x71: {  	[sflag:s4] =	ssyncadd.s32 $0xFFFF8000  }
0x72: {  	[hbm4b:s16+s2] =	stream.linear.scatter [tilespmem:s2], [sflag:$0x1], $0x8000, $0x38;
	[tilespmem:$0x10000] =	vst v63  }
0x73: {  	_ =	swait.ge [sflag:s11], $0x8000  }
0x74: {  	[sflag:s11] =	ssyncset.done $0x0  }
0x75: {  	[sflag:s11] =	ssyncadd.s32 $0xFFFF8000  }
0x76: {  	[tilespmem:s7], [sflag:$0x3] =	stream.linear.gather [hbm4b:s17+s2], $0x8000, $0x38;
	[tilespmem:$0x10000] =	vst v63  }
0x77: {  	_ =	swait.ge [sflag:s4], $0x8000  }
0x78: {  	[sflag:s4] =	ssyncset.done $0x0  }
0x79: {  	[sflag:s4] =	ssyncadd.s32 $0xFFFF8000  }
0x7a: {  	[hbm4b:s18+s2] =	stream.linear.scatter [tilespmem:s7], [sflag:$0x2], $0x8000, $0x38;
	[tilespmem:$0x10000] =	vst v63  }
0x7b: {  	_ =	swait.ge [sflag:s8], $0x8000  }
0x7c: {  	[sflag:s8] =	ssyncset.done $0x0  }
0x7d: {  	[sflag:s8] =	ssyncadd.s32 $0xFFFF8000  }
0x7e: {  	[tilespmem:s2], [sflag:$0x3] =	stream.linear.gather [hbm4b:s19+s2], $0x8000, $0x38;
	[tilespmem:$0x10000] =	vst v63  }
0x7f: {  	_ =	swait.ge [sflag:s4], $0x8000  }
0x80: {  	[sflag:s4] =	ssyncset.done $0x0  }
0x81: {  	[sflag:s4] =	ssyncadd.s32 $0xFFFF8000  }
0x82: {  	[hbm4b:s20+s2] =	stream.linear.scatter [tilespmem:s2], [sflag:$0x1], $0x8000, $0x38;
	[tilespmem:$0x10000] =	vst v63  }
0x83: {  	_ =	swait.ge [sflag:s11], $0x8000  }
0x84: {  	[sflag:s11] =	ssyncset.done $0x0  }
0x85: {  	[sflag:s11] =	ssyncadd.s32 $0xFFFF8000  }
0x86: {  	[tilespmem:s7], [sflag:$0x3] =	stream.linear.gather [hbm4b:s21+s2], $0x8000, $0x38;
	[tilespmem:$0x10000] =	vst v63  }
0x87: {  	_ =	swait.ge [sflag:s4], $0x8000  }
0x88: {  	[sflag:s4] =	ssyncset.done $0x0  }
0x89: {  	[sflag:s4] =	ssyncadd.s32 $0xFFFF8000  }
0x8a: {  	[hbm4b:s22+s2] =	stream.linear.scatter [tilespmem:s7], [sflag:$0x2], $0x8000, $0x38;
	[tilespmem:$0x10000] =	vst v63  }
.Ltmp1:
0x8b: {  	_ =	swait.ge [sflag:s8], $0x8000;
	(pc) =	sbr.rel @p0 .LBB2_1-.Ltmp1, $4  }
0x8c: {  	[sflag:s8] =	ssyncset.done $0x0  }
0x8d: {  	[sflag:s8] =	ssyncadd.s32 $0xFFFF8000  }
0x8e: {  	_ =	swait.ge [sflag:s11], $0x8000  }
0x8f: {  	[sflag:s11] =	ssyncset.done $0x0  }
.LBB2_2:
0x90: {  	[sflag:s11] =	ssyncadd.s32 $0xFFFF8000  }
0x91: {  	_ =	sfence.sel $0x180000  }
0x92: {  	[bflag:$0x0] =	sbarrier.arrive $0xFFFF  }
0x93: {  	p0 =	sne.s32 s0, $0x0;
	_ =	strace $0x90000047  }
0x94: {  	s0 =	sadd.s32 @!p0 $0x100000, s1;
	[bflag:$0x2] =	sbarrier.arrive $0xFFFF  }
0x95: {  	[sflag:s0] =	ssyncadd.tile.s32 @!p0 $0x1;
	_ =	shalt  }
.Lfunc_end2:
_tile_overlayer_lowered:
.L_overlay_start_2:
0x96: {  	(tag) =	ssettag $0x2  }
0x97: {  	s0 =	rddreg [dreg:$0x0];
	s2 =	stileid.u32  }
0x98: {  	s1 =	rddreg [dreg:$0x1];
	p0 =	sne.s32 s2, $0x0  }
0x99: {  	s3 =	rddreg [dreg:$0x2];
	[bflag:$0x3] =	sbarrier.arrive $0xFFFF;
	s2 =	simm.s32 @!p0 $0x1C03  }
0x9a: {  	[timem:s3], [sflag:s2] =	dma.local @!p0 [hbm:s0], s1  }
0x9b: {  	s0 =	simm.s32 @!p0 $0x3  }
0x9c: {  	_ =	swait.ge @!p0 [sflag:s0], s1  }
0x9d: {  	s1 =	ssub.s32 @!p0 $0x0, s1;
	[sflag:s0] =	ssyncset.done @!p0 $0x0  }
0x9e: {  	[sflag:s0] =	ssyncadd.s32 @!p0 s1  }
0x9f: {  	[bflag:$0x3] =	sbarrier.arrive $0xFFFF  }
0xa0: {  	_ =	shalt  }

</sc_bundles>
